<compile_context>
chip_gen: v7x
topology: tpu7x:2x2x1
jax: 0.10.2.dev20260603
libtpu: 0.0.44.dev20260713+nightly
codegen_flags: <defaults>
</compile_context>

<pallas_src>
import functools

import jax
import jax.numpy as jnp
from jax import lax
from jax.experimental import pallas as pl
from jax.experimental.pallas import tpu as pltpu
from jax.experimental.pallas import tpu_sc as plsc

_B = 64
_P = 64
_H = 512
_W = 512

_L = 16
_NC = 1
_NS = 16
_NW = _NC * _NS
_BPW = _B // _NW

_RUNS_PER_B = 2 * _H * _W // 128

_mesh = plsc.VectorSubcoreMesh(core_axis_name="c", subcore_axis_name="s", num_cores=1)


@functools.partial(
    pl.kernel,
    mesh=_mesh,
    out_type=jax.ShapeDtypeStruct((_B, _P), jnp.float32),
    scratch_types=[
        pltpu.VMEM((2 * _P,), jnp.int32),
        pltpu.VMEM((_BPW, _P), jnp.int32),
        pltpu.VMEM((_BPW, _P, 128), jnp.float32),
        pltpu.VMEM((_BPW, _P), jnp.float32),
        pltpu.SemaphoreType.DMA,
        pltpu.SemaphoreType.DMA,
        pltpu.SemaphoreType.DMA,
        pltpu.SemaphoreType.DMA,
        pltpu.SemaphoreType.DMA,
    ],
    compiler_params=pltpu.CompilerParams(needs_layout_passes=False),
)
def _probe_gather(m_hbm, xy_hbm, out_hbm, xy_v, ridx_v, runs_v, val_v,
                  gsem0, gsem1, gsem2, gsem3, osem):
    wid = lax.axis_index("s")
    b0 = wid * _BPW
    pltpu.sync_copy(xy_hbm, xy_v)

    gsems = (gsem0, gsem1, gsem2, gsem3)
    gathers = []
    for j in range(_BPW):
        for c in range(_P // _L):
            xv = xy_v[pl.ds(c * _L, _L)]
            yv = xy_v[pl.ds(_P + c * _L, _L)]
            run = (xv >> 3) * 32 + (yv >> 7) * 8 + (xv & 7)
            ridx_v[j, pl.ds(c * _L, _L)] = run + (b0 + j) * _RUNS_PER_B
        gathers.append(
            pltpu.async_copy(m_hbm.at[ridx_v.at[j]], runs_v.at[j], gsems[j])
        )

    for j in range(_BPW):
        gathers[j].wait()
        for c in range(_P // _L):
            rids = lax.iota(jnp.int32, _L) + c * _L
            lids = xy_v[pl.ds(_P + c * _L, _L)] & 127
            val_v[j, pl.ds(c * _L, _L)] = plsc.load_gather(
                runs_v.at[j], [rids, lids]
            )
        if j < _BPW - 1:
            pltpu.async_copy(val_v.at[j], out_hbm.at[b0 + j], osem)
    pltpu.sync_copy(val_v.at[_BPW - 1], out_hbm.at[b0 + _BPW - 1])
    for j in range(_BPW - 1):
        pltpu.make_async_copy(val_v.at[j], out_hbm.at[b0 + j], osem).wait()


def kernel(m, x, y):
    mruns = (
        m.reshape(8192, 8, 4, 128)
        .transpose(0, 2, 1, 3)
        .reshape(_B * _RUNS_PER_B, 128)
    )
    xy = jnp.concatenate([x.astype(jnp.int32), y.astype(jnp.int32)])
    return _probe_gather(mruns, xy)

# --- scband reference (transcript-rebuilt; emitter-appended) ---
"""Pipeline reference for scband-wave-probe-13889924235746 (READ-ONLY COPY).

The authoritative reference and input builder live on the scoring server;
editing this copy changes nothing except your own understanding.
"""

import jax, jax.numpy as jnp
import numpy as np

_PROBE_X = [0, 37, 74, 111, 148, 185, 222, 259, 296, 333, 370, 407, 444, 481, 6, 43, 80, 117, 154, 191, 228, 265, 302, 339, 376, 413, 450, 487, 12, 49, 86, 123, 160, 197, 234, 271, 308, 345, 382, 419, 456, 493, 18, 55, 92, 129, 166, 203, 240, 277, 314, 351, 388, 425, 462, 499, 24, 61, 98, 135, 172, 209, 246, 283]
_PROBE_Y = [7, 60, 113, 166, 219, 272, 325, 378, 431, 484, 25, 78, 131, 184, 237, 290, 343, 396, 449, 502, 43, 96, 149, 202, 255, 308, 361, 414, 467, 8, 61, 114, 167, 220, 273, 326, 379, 432, 485, 26, 79, 132, 185, 238, 291, 344, 397, 450, 503, 44, 97, 150, 203, 256, 309, 362, 415, 468, 9, 62, 115, 168, 221, 274]


def setup_inputs(seed: int = 0) -> dict:
    key = jax.random.key(seed)
    m = jax.random.normal(key, (64, 2, 512, 512), dtype=jnp.float32)
    x = jnp.asarray(_PROBE_X, dtype=jnp.int64)
    y = jnp.asarray(_PROBE_Y, dtype=jnp.int64)
    return {"m": m, "x": x, "y": y}


def reference(m, x, y):
    # Faithful translation of: return m[:, 0, self.x, self.y]
    # Gather channel 0 at probe coordinates -> [B, P]
    return m[:, 0, x, y]

if __name__ == "__main__":
    import jax
    _d = setup_inputs()
    print(jax.jit(kernel)(*tuple(_d.values())))

</pallas_src>

<mosaic_0001>
#map = affine_map<(d0, d1) -> (0, 0)>
#map1 = affine_map<(d0, d1) -> (0)>
module attributes {stable_mosaic.version = 14 : i64} {
  func.func @_probe_gather(%arg0: i32, %arg1: i32, %arg2: memref<262144x128xf32, #tpu.memory_space<hbm>>, %arg3: memref<128xi32, #tpu.memory_space<hbm>>, %arg4: memref<64x64xf32, #tpu.memory_space<hbm>>, %arg5: memref<128xi32, #tpu.memory_space<vmem>>, %arg6: memref<4x64xi32, #tpu.memory_space<vmem>>, %arg7: memref<4x64x128xf32, #tpu.memory_space<vmem>>, %arg8: memref<4x64xf32, #tpu.memory_space<vmem>>, %arg9: memref<!tpu.dma_semaphore, #tpu.memory_space<semaphore_mem>>, %arg10: memref<!tpu.dma_semaphore, #tpu.memory_space<semaphore_mem>>, %arg11: memref<!tpu.dma_semaphore, #tpu.memory_space<semaphore_mem>>, %arg12: memref<!tpu.dma_semaphore, #tpu.memory_space<semaphore_mem>>, %arg13: memref<!tpu.dma_semaphore, #tpu.memory_space<semaphore_mem>>) attributes {dimension_semantics = [#tpu.dimension_semantics<core_parallel>, #tpu.dimension_semantics<subcore_parallel>], iteration_bounds = array<i64: 1, 16>, scalar_prefetch = 0 : i64, scratch_operands = 9 : i64, tpu.core_type = #tpu.core_type<sc_vector_subcore>, window_params = [{transform_indices = #map}, {transform_indices = #map1}, {transform_indices = #map}]} {
    %mul3A = arith.constant 4 : i32
    %mul3A_0 = arith.muli %arg1, %mul3A : i32
    "tpu.region"() ({
      %run_scoped3A_981 = tpu.sem_alloc : memref<!tpu.dma_semaphore, #tpu.memory_space<semaphore_mem>>
      tpu.enqueue_dma source(%arg3 : memref<128xi32, #tpu.memory_space<hbm>>) target(%arg5 : memref<128xi32, #tpu.memory_space<vmem>>) target_semaphore(%run_scoped3A_981 : memref<!tpu.dma_semaphore, #tpu.memory_space<semaphore_mem>>)
      tpu.wait_dma2 semaphore(%run_scoped3A_981 : memref<!tpu.dma_semaphore, #tpu.memory_space<semaphore_mem>>) src(%arg3 : memref<128xi32, #tpu.memory_space<hbm>>) dst(%arg5 : memref<128xi32, #tpu.memory_space<vmem>>)
      tpu.yield
    }) : () -> ()
    %get3A = arith.constant 0 : index
    %get3A_1 = tpu.vector_load %arg5[%get3A] {strides = array<i32>} : memref<128xi32, #tpu.memory_space<vmem>>, vector<16xi32>,
    %get3A_2 = arith.constant 64 : index
    %get3A_3 = tpu.vector_load %arg5[%get3A_2] {strides = array<i32>} : memref<128xi32, #tpu.memory_space<vmem>>, vector<16xi32>,
    %shift_right_arithmetic3A = arith.constant 3 : i32
    %shift_right_arithmetic3A_4 = vector.broadcast %shift_right_arithmetic3A : i32 to vector<16xi32>
    %shift_right_arithmetic3A_5 = arith.shrsi %get3A_1, %shift_right_arithmetic3A_4 : vector<16xi32>
    %mul3A_6 = arith.constant 32 : i32
    %mul3A_7 = vector.broadcast %mul3A_6 : i32 to vector<16xi32>
    %mul3A_8 = arith.muli %shift_right_arithmetic3A_5, %mul3A_7 : vector<16xi32>
    %shift_right_arithmetic3A_9 = arith.constant 7 : i32
    %shift_right_arithmetic3A_10 = vector.broadcast %shift_right_arithmetic3A_9 : i32 to vector<16xi32>
    %shift_right_arithmetic3A_11 = arith.shrsi %get3A_3, %shift_right_arithmetic3A_10 : vector<16xi32>
    %mul3A_12 = arith.constant 8 : i32
    %mul3A_13 = vector.broadcast %mul3A_12 : i32 to vector<16xi32>
    %mul3A_14 = arith.muli %shift_right_arithmetic3A_11, %mul3A_13 : vector<16xi32>
    %add3A = arith.addi %mul3A_8, %mul3A_14 : vector<16xi32>
    %and3A = arith.constant 7 : i32
    %and3A_15 = vector.broadcast %and3A : i32 to vector<16xi32>
    %and3A_16 = arith.andi %get3A_1, %and3A_15 : vector<16xi32>
    %add3A_17 = arith.addi %add3A, %and3A_16 : vector<16xi32>
    %add3A_18 = arith.constant 0 : i32
    %add3A_19 = arith.addi %mul3A_0, %add3A_18 : i32
    %mul3A_20 = arith.constant 4096 : i32
    %mul3A_21 = arith.muli %add3A_19, %mul3A_20 : i32
    %add3A_22 = vector.broadcast %mul3A_21 : i32 to vector<16xi32>
    %add3A_23 = arith.addi %add3A_17, %add3A_22 : vector<16xi32>
    %swap3A = arith.constant 0 : i32
    %swap3A_24 = arith.index_cast %swap3A : i32 to index
    %swap3A_25 = arith.constant 0 : index
    %swap3A_26 = tpu.vector_load %arg6[%swap3A_24, %swap3A_25] {strides = array<i32>} : memref<4x64xi32, #tpu.memory_space<vmem>>, vector<16xi32>,
    tpu.vector_store %arg6[%swap3A_24, %swap3A_25], %add3A_23 {strides = array<i32>} : memref<4x64xi32, #tpu.memory_space<vmem>>, vector<16xi32>,
    %get3A_27 = arith.constant 16 : index
    %get3A_28 = tpu.vector_load %arg5[%get3A_27] {strides = array<i32>} : memref<128xi32, #tpu.memory_space<vmem>>, vector<16xi32>,
    %get3A_29 = arith.constant 80 : index
    %get3A_30 = tpu.vector_load %arg5[%get3A_29] {strides = array<i32>} : memref<128xi32, #tpu.memory_space<vmem>>, vector<16xi32>,
    %shift_right_arithmetic3A_31 = arith.constant 3 : i32
    %shift_right_arithmetic3A_32 = vector.broadcast %shift_right_arithmetic3A_31 : i32 to vector<16xi32>
    %shift_right_arithmetic3A_33 = arith.shrsi %get3A_28, %shift_right_arithmetic3A_32 : vector<16xi32>
    %mul3A_34 = arith.constant 32 : i32
    %mul3A_35 = vector.broadcast %mul3A_34 : i32 to vector<16xi32>
    %mul3A_36 = arith.muli %shift_right_arithmetic3A_33, %mul3A_35 : vector<16xi32>
    %shift_right_arithmetic3A_37 = arith.constant 7 : i32
    %shift_right_arithmetic3A_38 = vector.broadcast %shift_right_arithmetic3A_37 : i32 to vector<16xi32>
    %shift_right_arithmetic3A_39 = arith.shrsi %get3A_30, %shift_right_arithmetic3A_38 : vector<16xi32>
    %mul3A_40 = arith.constant 8 : i32
    %mul3A_41 = vector.broadcast %mul3A_40 : i32 to vector<16xi32>
    %mul3A_42 = arith.muli %shift_right_arithmetic3A_39, %mul3A_41 : vector<16xi32>
    %add3A_43 = arith.addi %mul3A_36, %mul3A_42 : vector<16xi32>
    %and3A_44 = arith.constant 7 : i32
    %and3A_45 = vector.broadcast %and3A_44 : i32 to vector<16xi32>
    %and3A_46 = arith.andi %get3A_28, %and3A_45 : vector<16xi32>
    %add3A_47 = arith.addi %add3A_43, %and3A_46 : vector<16xi32>
    %add3A_48 = arith.constant 0 : i32
    %add3A_49 = arith.addi %mul3A_0, %add3A_48 : i32
    %mul3A_50 = arith.constant 4096 : i32
    %mul3A_51 = arith.muli %add3A_49, %mul3A_50 : i32
    %add3A_52 = vector.broadcast %mul3A_51 : i32 to vector<16xi32>
    %add3A_53 = arith.addi %add3A_47, %add3A_52 : vector<16xi32>
    %swap3A_54 = arith.constant 0 : i32
    %swap3A_55 = arith.index_cast %swap3A_54 : i32 to index
    %swap3A_56 = arith.constant 16 : index
    %swap3A_57 = tpu.vector_load %arg6[%swap3A_55, %swap3A_56] {strides = array<i32>} : memref<4x64xi32, #tpu.memory_space<vmem>>, vector<16xi32>,
    tpu.vector_store %arg6[%swap3A_55, %swap3A_56], %add3A_53 {strides = array<i32>} : memref<4x64xi32, #tpu.memory_space<vmem>>, vector<16xi32>,
    %get3A_58 = arith.constant 32 : index
    %get3A_59 = tpu.vector_load %arg5[%get3A_58] {strides = array<i32>} : memref<128xi32, #tpu.memory_space<vmem>>, vector<16xi32>,
    %get3A_60 = arith.constant 96 : index
    %get3A_61 = tpu.vector_load %arg5[%get3A_60] {strides = array<i32>} : memref<128xi32, #tpu.memory_space<vmem>>, vector<16xi32>,
    %shift_right_arithmetic3A_62 = arith.constant 3 : i32
    %shift_right_arithmetic3A_63 = vector.broadcast %shift_right_arithmetic3A_62 : i32 to vector<16xi32>
    %shift_right_arithmetic3A_64 = arith.shrsi %get3A_59, %shift_right_arithmetic3A_63 : vector<16xi32>
    %mul3A_65 = arith.constant 32 : i32
    %mul3A_66 = vector.broadcast %mul3A_65 : i32 to vector<16xi32>
    %mul3A_67 = arith.muli %shift_right_arithmetic3A_64, %mul3A_66 : vector<16xi32>
    %shift_right_arithmetic3A_68 = arith.constant 7 : i32
    %shift_right_arithmetic3A_69 = vector.broadcast %shift_right_arithmetic3A_68 : i32 to vector<16xi32>
    %shift_right_arithmetic3A_70 = arith.shrsi %get3A_61, %shift_right_arithmetic3A_69 : vector<16xi32>
    %mul3A_71 = arith.constant 8 : i32
    %mul3A_72 = vector.broadcast %mul3A_71 : i32 to vector<16xi32>
    %mul3A_73 = arith.muli %shift_right_arithmetic3A_70, %mul3A_72 : vector<16xi32>
    %add3A_74 = arith.addi %mul3A_67, %mul3A_73 : vector<16xi32>
    %and3A_75 = arith.constant 7 : i32
    %and3A_76 = vector.broadcast %and3A_75 : i32 to vector<16xi32>
    %and3A_77 = arith.andi %get3A_59, %and3A_76 : vector<16xi32>
    %add3A_78 = arith.addi %add3A_74, %and3A_77 : vector<16xi32>
    %add3A_79 = arith.constant 0 : i32
    %add3A_80 = arith.addi %mul3A_0, %add3A_79 : i32
    %mul3A_81 = arith.constant 4096 : i32
    %mul3A_82 = arith.muli %add3A_80, %mul3A_81 : i32
    %add3A_83 = vector.broadcast %mul3A_82 : i32 to vector<16xi32>
    %add3A_84 = arith.addi %add3A_78, %add3A_83 : vector<16xi32>
    %swap3A_85 = arith.constant 0 : i32
    %swap3A_86 = arith.index_cast %swap3A_85 : i32 to index
    %swap3A_87 = arith.constant 32 : index
    %swap3A_88 = tpu.vector_load %arg6[%swap3A_86, %swap3A_87] {strides = array<i32>} : memref<4x64xi32, #tpu.memory_space<vmem>>, vector<16xi32>,
    tpu.vector_store %arg6[%swap3A_86, %swap3A_87], %add3A_84 {strides = array<i32>} : memref<4x64xi32, #tpu.memory_space<vmem>>, vector<16xi32>,
    %get3A_89 = arith.constant 48 : index
    %get3A_90 = tpu.vector_load %arg5[%get3A_89] {strides = array<i32>} : memref<128xi32, #tpu.memory_space<vmem>>, vector<16xi32>,
    %get3A_91 = arith.constant 112 : index
    %get3A_92 = tpu.vector_load %arg5[%get3A_91] {strides = array<i32>} : memref<128xi32, #tpu.memory_space<vmem>>, vector<16xi32>,
    %shift_right_arithmetic3A_93 = arith.constant 3 : i32
    %shift_right_arithmetic3A_94 = vector.broadcast %shift_right_arithmetic3A_93 : i32 to vector<16xi32>
    %shift_right_arithmetic3A_95 = arith.shrsi %get3A_90, %shift_right_arithmetic3A_94 : vector<16xi32>
    %mul3A_96 = arith.constant 32 : i32
    %mul3A_97 = vector.broadcast %mul3A_96 : i32 to vector<16xi32>
    %mul3A_98 = arith.muli %shift_right_arithmetic3A_95, %mul3A_97 : vector<16xi32>
    %shift_right_arithmetic3A_99 = arith.constant 7 : i32
    %shift_right_arithmetic3A_100 = vector.broadcast %shift_right_arithmetic3A_99 : i32 to vector<16xi32>
    %shift_right_arithmetic3A_101 = arith.shrsi %get3A_92, %shift_right_arithmetic3A_100 : vector<16xi32>
    %mul3A_102 = arith.constant 8 : i32
    %mul3A_103 = vector.broadcast %mul3A_102 : i32 to vector<16xi32>
    %mul3A_104 = arith.muli %shift_right_arithmetic3A_101, %mul3A_103 : vector<16xi32>
    %add3A_105 = arith.addi %mul3A_98, %mul3A_104 : vector<16xi32>
    %and3A_106 = arith.constant 7 : i32
    %and3A_107 = vector.broadcast %and3A_106 : i32 to vector<16xi32>
    %and3A_108 = arith.andi %get3A_90, %and3A_107 : vector<16xi32>
    %add3A_109 = arith.addi %add3A_105, %and3A_108 : vector<16xi32>
    %add3A_110 = arith.constant 0 : i32
    %add3A_111 = arith.addi %mul3A_0, %add3A_110 : i32
    %mul3A_112 = arith.constant 4096 : i32
    %mul3A_113 = arith.muli %add3A_111, %mul3A_112 : i32
    %add3A_114 = vector.broadcast %mul3A_113 : i32 to vector<16xi32>
    %add3A_115 = arith.addi %add3A_109, %add3A_114 : vector<16xi32>
    %swap3A_116 = arith.constant 0 : i32
    %swap3A_117 = arith.index_cast %swap3A_116 : i32 to index
    %swap3A_118 = arith.constant 48 : index
    %swap3A_119 = tpu.vector_load %arg6[%swap3A_117, %swap3A_118] {strides = array<i32>} : memref<4x64xi32, #tpu.memory_space<vmem>>, vector<16xi32>,
    tpu.vector_store %arg6[%swap3A_117, %swap3A_118], %add3A_115 {strides = array<i32>} : memref<4x64xi32, #tpu.memory_space<vmem>>, vector<16xi32>,
    %dma_start3A = arith.constant 0 : i32
    %dma_start3A_120 = arith.constant 0 : i32
    %dma_start3A_121 = arith.constant 0 : i32
    %dma_start3A_122 = arith.constant 0 : i32
    %dma_start3A_123 = tpu.memref_slice %arg7[%dma_start3A_120, %dma_start3A_121, %dma_start3A_122] : memref<4x64x128xf32, #tpu.memory_space<vmem>> -> memref<1x64x128xf32, #tpu.memory_space<vmem>>
    %dma_start3A_124 = tpu.memref_squeeze %dma_start3A_123 : memref<1x64x128xf32, #tpu.memory_space<vmem>> -> memref<64x128xf32, #tpu.memory_space<vmem>>
    %dma_start3A_125 = arith.constant 0 : i32
    %dma_start3A_126 = tpu.memref_slice %arg6[%dma_start3A, %dma_start3A_125] : memref<4x64xi32, #tpu.memory_space<vmem>> -> memref<1x64xi32, #tpu.memory_space<vmem>>
    %dma_start3A_127 = tpu.memref_squeeze %dma_start3A_126 : memref<1x64xi32, #tpu.memory_space<vmem>> -> memref<64xi32, #tpu.memory_space<vmem>>
    %dma_start3A_128 = arith.constant 0 : i32
    %dma_start3A_129 = arith.constant 0 : i32
    %dma_start3A_130 = tpu.memref_slice %arg2[%dma_start3A_128, %dma_start3A_129] : memref<262144x128xf32, #tpu.memory_space<hbm>> -> memref<262144x128xf32, #tpu.memory_space<hbm>>
    tpu.enqueue_indirect_dma source(%dma_start3A_130 : memref<262144x128xf32, #tpu.memory_space<hbm>>) target(%dma_start3A_124 : memref<64x128xf32, #tpu.memory_space<vmem>>) offsets(%dma_start3A_127 : memref<64xi32, #tpu.memory_space<vmem>>) semaphore(%arg9 : memref<!tpu.dma_semaphore, #tpu.memory_space<semaphore_mem>>)
    %get3A_131 = arith.constant 0 : index
    %get3A_132 = tpu.vector_load %arg5[%get3A_131] {strides = array<i32>} : memref<128xi32, #tpu.memory_space<vmem>>, vector<16xi32>,
    %get3A_133 = arith.constant 64 : index
    %get3A_134 = tpu.vector_load %arg5[%get3A_133] {strides = array<i32>} : memref<128xi32, #tpu.memory_space<vmem>>, vector<16xi32>,
    %shift_right_arithmetic3A_135 = arith.constant 3 : i32
    %shift_right_arithmetic3A_136 = vector.broadcast %shift_right_arithmetic3A_135 : i32 to vector<16xi32>
    %shift_right_arithmetic3A_137 = arith.shrsi %get3A_132, %shift_right_arithmetic3A_136 : vector<16xi32>
    %mul3A_138 = arith.constant 32 : i32
    %mul3A_139 = vector.broadcast %mul3A_138 : i32 to vector<16xi32>
    %mul3A_140 = arith.muli %shift_right_arithmetic3A_137, %mul3A_139 : vector<16xi32>
    %shift_right_arithmetic3A_141 = arith.constant 7 : i32
    %shift_right_arithmetic3A_142 = vector.broadcast %shift_right_arithmetic3A_141 : i32 to vector<16xi32>
    %shift_right_arithmetic3A_143 = arith.shrsi %get3A_134, %shift_right_arithmetic3A_142 : vector<16xi32>
    %mul3A_144 = arith.constant 8 : i32
    %mul3A_145 = vector.broadcast %mul3A_144 : i32 to vector<16xi32>
    %mul3A_146 = arith.muli %shift_right_arithmetic3A_143, %mul3A_145 : vector<16xi32>
    %add3A_147 = arith.addi %mul3A_140, %mul3A_146 : vector<16xi32>
    %and3A_148 = arith.constant 7 : i32
    %and3A_149 = vector.broadcast %and3A_148 : i32 to vector<16xi32>
    %and3A_150 = arith.andi %get3A_132, %and3A_149 : vector<16xi32>
    %add3A_151 = arith.addi %add3A_147, %and3A_150 : vector<16xi32>
    %add3A_152 = arith.constant 1 : i32
    %add3A_153 = arith.addi %mul3A_0, %add3A_152 : i32
    %mul3A_154 = arith.constant 4096 : i32
    %mul3A_155 = arith.muli %add3A_153, %mul3A_154 : i32
    %add3A_156 = vector.broadcast %mul3A_155 : i32 to vector<16xi32>
    %add3A_157 = arith.addi %add3A_151, %add3A_156 : vector<16xi32>
    %swap3A_158 = arith.constant 1 : i32
    %swap3A_159 = arith.index_cast %swap3A_158 : i32 to index
    %swap3A_160 = arith.constant 0 : index
    %swap3A_161 = tpu.vector_load %arg6[%swap3A_159, %swap3A_160] {strides = array<i32>} : memref<4x64xi32, #tpu.memory_space<vmem>>, vector<16xi32>,
    tpu.vector_store %arg6[%swap3A_159, %swap3A_160], %add3A_157 {strides = array<i32>} : memref<4x64xi32, #tpu.memory_space<vmem>>, vector<16xi32>,
    %get3A_162 = arith.constant 16 : index
    %get3A_163 = tpu.vector_load %arg5[%get3A_162] {strides = array<i32>} : memref<128xi32, #tpu.memory_space<vmem>>, vector<16xi32>,
    %get3A_164 = arith.constant 80 : index
    %get3A_165 = tpu.vector_load %arg5[%get3A_164] {strides = array<i32>} : memref<128xi32, #tpu.memory_space<vmem>>, vector<16xi32>,
    %shift_right_arithmetic3A_166 = arith.constant 3 : i32
    %shift_right_arithmetic3A_167 = vector.broadcast %shift_right_arithmetic3A_166 : i32 to vector<16xi32>
    %shift_right_arithmetic3A_168 = arith.shrsi %get3A_163, %shift_right_arithmetic3A_167 : vector<16xi32>
    %mul3A_169 = arith.constant 32 : i32
    %mul3A_170 = vector.broadcast %mul3A_169 : i32 to vector<16xi32>
    %mul3A_171 = arith.muli %shift_right_arithmetic3A_168, %mul3A_170 : vector<16xi32>
    %shift_right_arithmetic3A_172 = arith.constant 7 : i32
    %shift_right_arithmetic3A_173 = vector.broadcast %shift_right_arithmetic3A_172 : i32 to vector<16xi32>
    %shift_right_arithmetic3A_174 = arith.shrsi %get3A_165, %shift_right_arithmetic3A_173 : vector<16xi32>
    %mul3A_175 = arith.constant 8 : i32
    %mul3A_176 = vector.broadcast %mul3A_175 : i32 to vector<16xi32>
    %mul3A_177 = arith.muli %shift_right_arithmetic3A_174, %mul3A_176 : vector<16xi32>
    %add3A_178 = arith.addi %mul3A_171, %mul3A_177 : vector<16xi32>
    %and3A_179 = arith.constant 7 : i32
    %and3A_180 = vector.broadcast %and3A_179 : i32 to vector<16xi32>
    %and3A_181 = arith.andi %get3A_163, %and3A_180 : vector<16xi32>
    %add3A_182 = arith.addi %add3A_178, %and3A_181 : vector<16xi32>
    %add3A_183 = arith.constant 1 : i32
    %add3A_184 = arith.addi %mul3A_0, %add3A_183 : i32
    %mul3A_185 = arith.constant 4096 : i32
    %mul3A_186 = arith.muli %add3A_184, %mul3A_185 : i32
    %add3A_187 = vector.broadcast %mul3A_186 : i32 to vector<16xi32>
    %add3A_188 = arith.addi %add3A_182, %add3A_187 : vector<16xi32>
    %swap3A_189 = arith.constant 1 : i32
    %swap3A_190 = arith.index_cast %swap3A_189 : i32 to index
    %swap3A_191 = arith.constant 16 : index
    %swap3A_192 = tpu.vector_load %arg6[%swap3A_190, %swap3A_191] {strides = array<i32>} : memref<4x64xi32, #tpu.memory_space<vmem>>, vector<16xi32>,
    tpu.vector_store %arg6[%swap3A_190, %swap3A_191], %add3A_188 {strides = array<i32>} : memref<4x64xi32, #tpu.memory_space<vmem>>, vector<16xi32>,
    %get3A_193 = arith.constant 32 : index
    %get3A_194 = tpu.vector_load %arg5[%get3A_193] {strides = array<i32>} : memref<128xi32, #tpu.memory_space<vmem>>, vector<16xi32>,
    %get3A_195 = arith.constant 96 : index
    %get3A_196 = tpu.vector_load %arg5[%get3A_195] {strides = array<i32>} : memref<128xi32, #tpu.memory_space<vmem>>, vector<16xi32>,
    %shift_right_arithmetic3A_197 = arith.constant 3 : i32
    %shift_right_arithmetic3A_198 = vector.broadcast %shift_right_arithmetic3A_197 : i32 to vector<16xi32>
    %shift_right_arithmetic3A_199 = arith.shrsi %get3A_194, %shift_right_arithmetic3A_198 : vector<16xi32>
    %mul3A_200 = arith.constant 32 : i32
    %mul3A_201 = vector.broadcast %mul3A_200 : i32 to vector<16xi32>
    %mul3A_202 = arith.muli %shift_right_arithmetic3A_199, %mul3A_201 : vector<16xi32>
    %shift_right_arithmetic3A_203 = arith.constant 7 : i32
    %shift_right_arithmetic3A_204 = vector.broadcast %shift_right_arithmetic3A_203 : i32 to vector<16xi32>
    %shift_right_arithmetic3A_205 = arith.shrsi %get3A_196, %shift_right_arithmetic3A_204 : vector<16xi32>
    %mul3A_206 = arith.constant 8 : i32
    %mul3A_207 = vector.broadcast %mul3A_206 : i32 to vector<16xi32>
    %mul3A_208 = arith.muli %shift_right_arithmetic3A_205, %mul3A_207 : vector<16xi32>
    %add3A_209 = arith.addi %mul3A_202, %mul3A_208 : vector<16xi32>
    %and3A_210 = arith.constant 7 : i32
    %and3A_211 = vector.broadcast %and3A_210 : i32 to vector<16xi32>
    %and3A_212 = arith.andi %get3A_194, %and3A_211 : vector<16xi32>
    %add3A_213 = arith.addi %add3A_209, %and3A_212 : vector<16xi32>
    %add3A_214 = arith.constant 1 : i32
    %add3A_215 = arith.addi %mul3A_0, %add3A_214 : i32
    %mul3A_216 = arith.constant 4096 : i32
    %mul3A_217 = arith.muli %add3A_215, %mul3A_216 : i32
    %add3A_218 = vector.broadcast %mul3A_217 : i32 to vector<16xi32>
    %add3A_219 = arith.addi %add3A_213, %add3A_218 : vector<16xi32>
    %swap3A_220 = arith.constant 1 : i32
    %swap3A_221 = arith.index_cast %swap3A_220 : i32 to index
    %swap3A_222 = arith.constant 32 : index
    %swap3A_223 = tpu.vector_load %arg6[%swap3A_221, %swap3A_222] {strides = array<i32>} : memref<4x64xi32, #tpu.memory_space<vmem>>, vector<16xi32>,
    tpu.vector_store %arg6[%swap3A_221, %swap3A_222], %add3A_219 {strides = array<i32>} : memref<4x64xi32, #tpu.memory_space<vmem>>, vector<16xi32>,
    %get3A_224 = arith.constant 48 : index
    %get3A_225 = tpu.vector_load %arg5[%get3A_224] {strides = array<i32>} : memref<128xi32, #tpu.memory_space<vmem>>, vector<16xi32>,
    %get3A_226 = arith.constant 112 : index
    %get3A_227 = tpu.vector_load %arg5[%get3A_226] {strides = array<i32>} : memref<128xi32, #tpu.memory_space<vmem>>, vector<16xi32>,
    %shift_right_arithmetic3A_228 = arith.constant 3 : i32
    %shift_right_arithmetic3A_229 = vector.broadcast %shift_right_arithmetic3A_228 : i32 to vector<16xi32>
    %shift_right_arithmetic3A_230 = arith.shrsi %get3A_225, %shift_right_arithmetic3A_229 : vector<16xi32>
    %mul3A_231 = arith.constant 32 : i32
    %mul3A_232 = vector.broadcast %mul3A_231 : i32 to vector<16xi32>
    %mul3A_233 = arith.muli %shift_right_arithmetic3A_230, %mul3A_232 : vector<16xi32>
    %shift_right_arithmetic3A_234 = arith.constant 7 : i32
    %shift_right_arithmetic3A_235 = vector.broadcast %shift_right_arithmetic3A_234 : i32 to vector<16xi32>
    %shift_right_arithmetic3A_236 = arith.shrsi %get3A_227, %shift_right_arithmetic3A_235 : vector<16xi32>
    %mul3A_237 = arith.constant 8 : i32
    %mul3A_238 = vector.broadcast %mul3A_237 : i32 to vector<16xi32>
    %mul3A_239 = arith.muli %shift_right_arithmetic3A_236, %mul3A_238 : vector<16xi32>
    %add3A_240 = arith.addi %mul3A_233, %mul3A_239 : vector<16xi32>
    %and3A_241 = arith.constant 7 : i32
    %and3A_242 = vector.broadcast %and3A_241 : i32 to vector<16xi32>
    %and3A_243 = arith.andi %get3A_225, %and3A_242 : vector<16xi32>
    %add3A_244 = arith.addi %add3A_240, %and3A_243 : vector<16xi32>
    %add3A_245 = arith.constant 1 : i32
    %add3A_246 = arith.addi %mul3A_0, %add3A_245 : i32
    %mul3A_247 = arith.constant 4096 : i32
    %mul3A_248 = arith.muli %add3A_246, %mul3A_247 : i32
    %add3A_249 = vector.broadcast %mul3A_248 : i32 to vector<16xi32>
    %add3A_250 = arith.addi %add3A_244, %add3A_249 : vector<16xi32>
    %swap3A_251 = arith.constant 1 : i32
    %swap3A_252 = arith.index_cast %swap3A_251 : i32 to index
    %swap3A_253 = arith.constant 48 : index
    %swap3A_254 = tpu.vector_load %arg6[%swap3A_252, %swap3A_253] {strides = array<i32>} : memref<4x64xi32, #tpu.memory_space<vmem>>, vector<16xi32>,
    tpu.vector_store %arg6[%swap3A_252, %swap3A_253], %add3A_250 {strides = array<i32>} : memref<4x64xi32, #tpu.memory_space<vmem>>, vector<16xi32>,
    %dma_start3A_255 = arith.constant 1 : i32
    %dma_start3A_256 = arith.constant 1 : i32
    %dma_start3A_257 = arith.constant 0 : i32
    %dma_start3A_258 = arith.constant 0 : i32
    %dma_start3A_259 = tpu.memref_slice %arg7[%dma_start3A_256, %dma_start3A_257, %dma_start3A_258] : memref<4x64x128xf32, #tpu.memory_space<vmem>> -> memref<1x64x128xf32, #tpu.memory_space<vmem>>
    %dma_start3A_260 = tpu.memref_squeeze %dma_start3A_259 : memref<1x64x128xf32, #tpu.memory_space<vmem>> -> memref<64x128xf32, #tpu.memory_space<vmem>>
    %dma_start3A_261 = arith.constant 0 : i32
    %dma_start3A_262 = tpu.memref_slice %arg6[%dma_start3A_255, %dma_start3A_261] : memref<4x64xi32, #tpu.memory_space<vmem>> -> memref<1x64xi32, #tpu.memory_space<vmem>>
    %dma_start3A_263 = tpu.memref_squeeze %dma_start3A_262 : memref<1x64xi32, #tpu.memory_space<vmem>> -> memref<64xi32, #tpu.memory_space<vmem>>
    %dma_start3A_264 = arith.constant 0 : i32
    %dma_start3A_265 = arith.constant 0 : i32
    %dma_start3A_266 = tpu.memref_slice %arg2[%dma_start3A_264, %dma_start3A_265] : memref<262144x128xf32, #tpu.memory_space<hbm>> -> memref<262144x128xf32, #tpu.memory_space<hbm>>
    tpu.enqueue_indirect_dma source(%dma_start3A_266 : memref<262144x128xf32, #tpu.memory_space<hbm>>) target(%dma_start3A_260 : memref<64x128xf32, #tpu.memory_space<vmem>>) offsets(%dma_start3A_263 : memref<64xi32, #tpu.memory_space<vmem>>) semaphore(%arg10 : memref<!tpu.dma_semaphore, #tpu.memory_space<semaphore_mem>>)
    %get3A_267 = arith.constant 0 : index
    %get3A_268 = tpu.vector_load %arg5[%get3A_267] {strides = array<i32>} : memref<128xi32, #tpu.memory_space<vmem>>, vector<16xi32>,
    %get3A_269 = arith.constant 64 : index
    %get3A_270 = tpu.vector_load %arg5[%get3A_269] {strides = array<i32>} : memref<128xi32, #tpu.memory_space<vmem>>, vector<16xi32>,
    %shift_right_arithmetic3A_271 = arith.constant 3 : i32
    %shift_right_arithmetic3A_272 = vector.broadcast %shift_right_arithmetic3A_271 : i32 to vector<16xi32>
    %shift_right_arithmetic3A_273 = arith.shrsi %get3A_268, %shift_right_arithmetic3A_272 : vector<16xi32>
    %mul3A_274 = arith.constant 32 : i32
    %mul3A_275 = vector.broadcast %mul3A_274 : i32 to vector<16xi32>
    %mul3A_276 = arith.muli %shift_right_arithmetic3A_273, %mul3A_275 : vector<16xi32>
    %shift_right_arithmetic3A_277 = arith.constant 7 : i32
    %shift_right_arithmetic3A_278 = vector.broadcast %shift_right_arithmetic3A_277 : i32 to vector<16xi32>
    %shift_right_arithmetic3A_279 = arith.shrsi %get3A_270, %shift_right_arithmetic3A_278 : vector<16xi32>
    %mul3A_280 = arith.constant 8 : i32
    %mul3A_281 = vector.broadcast %mul3A_280 : i32 to vector<16xi32>
    %mul3A_282 = arith.muli %shift_right_arithmetic3A_279, %mul3A_281 : vector<16xi32>
    %add3A_283 = arith.addi %mul3A_276, %mul3A_282 : vector<16xi32>
    %and3A_284 = arith.constant 7 : i32
    %and3A_285 = vector.broadcast %and3A_284 : i32 to vector<16xi32>
    %and3A_286 = arith.andi %get3A_268, %and3A_285 : vector<16xi32>
    %add3A_287 = arith.addi %add3A_283, %and3A_286 : vector<16xi32>
    %add3A_288 = arith.constant 2 : i32
    %add3A_289 = arith.addi %mul3A_0, %add3A_288 : i32
    %mul3A_290 = arith.constant 4096 : i32
    %mul3A_291 = arith.muli %add3A_289, %mul3A_290 : i32
    %add3A_292 = vector.broadcast %mul3A_291 : i32 to vector<16xi32>
    %add3A_293 = arith.addi %add3A_287, %add3A_292 : vector<16xi32>
    %swap3A_294 = arith.constant 2 : i32
    %swap3A_295 = arith.index_cast %swap3A_294 : i32 to index
    %swap3A_296 = arith.constant 0 : index
    %swap3A_297 = tpu.vector_load %arg6[%swap3A_295, %swap3A_296] {strides = array<i32>} : memref<4x64xi32, #tpu.memory_space<vmem>>, vector<16xi32>,
    tpu.vector_store %arg6[%swap3A_295, %swap3A_296], %add3A_293 {strides = array<i32>} : memref<4x64xi32, #tpu.memory_space<vmem>>, vector<16xi32>,
    %get3A_298 = arith.constant 16 : index
    %get3A_299 = tpu.vector_load %arg5[%get3A_298] {strides = array<i32>} : memref<128xi32, #tpu.memory_space<vmem>>, vector<16xi32>,
    %get3A_300 = arith.constant 80 : index
    %get3A_301 = tpu.vector_load %arg5[%get3A_300] {strides = array<i32>} : memref<128xi32, #tpu.memory_space<vmem>>, vector<16xi32>,
    %shift_right_arithmetic3A_302 = arith.constant 3 : i32
    %shift_right_arithmetic3A_303 = vector.broadcast %shift_right_arithmetic3A_302 : i32 to vector<16xi32>
    %shift_right_arithmetic3A_304 = arith.shrsi %get3A_299, %shift_right_arithmetic3A_303 : vector<16xi32>
    %mul3A_305 = arith.constant 32 : i32
    %mul3A_306 = vector.broadcast %mul3A_305 : i32 to vector<16xi32>
    %mul3A_307 = arith.muli %shift_right_arithmetic3A_304, %mul3A_306 : vector<16xi32>
    %shift_right_arithmetic3A_308 = arith.constant 7 : i32
    %shift_right_arithmetic3A_309 = vector.broadcast %shift_right_arithmetic3A_308 : i32 to vector<16xi32>
    %shift_right_arithmetic3A_310 = arith.shrsi %get3A_301, %shift_right_arithmetic3A_309 : vector<16xi32>
    %mul3A_311 = arith.constant 8 : i32
    %mul3A_312 = vector.broadcast %mul3A_311 : i32 to vector<16xi32>
    %mul3A_313 = arith.muli %shift_right_arithmetic3A_310, %mul3A_312 : vector<16xi32>
    %add3A_314 = arith.addi %mul3A_307, %mul3A_313 : vector<16xi32>
    %and3A_315 = arith.constant 7 : i32
    %and3A_316 = vector.broadcast %and3A_315 : i32 to vector<16xi32>
    %and3A_317 = arith.andi %get3A_299, %and3A_316 : vector<16xi32>
    %add3A_318 = arith.addi %add3A_314, %and3A_317 : vector<16xi32>
    %add3A_319 = arith.constant 2 : i32
    %add3A_320 = arith.addi %mul3A_0, %add3A_319 : i32
    %mul3A_321 = arith.constant 4096 : i32
    %mul3A_322 = arith.muli %add3A_320, %mul3A_321 : i32
    %add3A_323 = vector.broadcast %mul3A_322 : i32 to vector<16xi32>
    %add3A_324 = arith.addi %add3A_318, %add3A_323 : vector<16xi32>
    %swap3A_325 = arith.constant 2 : i32
    %swap3A_326 = arith.index_cast %swap3A_325 : i32 to index
    %swap3A_327 = arith.constant 16 : index
    %swap3A_328 = tpu.vector_load %arg6[%swap3A_326, %swap3A_327] {strides = array<i32>} : memref<4x64xi32, #tpu.memory_space<vmem>>, vector<16xi32>,
    tpu.vector_store %arg6[%swap3A_326, %swap3A_327], %add3A_324 {strides = array<i32>} : memref<4x64xi32, #tpu.memory_space<vmem>>, vector<16xi32>,
    %get3A_329 = arith.constant 32 : index
    %get3A_330 = tpu.vector_load %arg5[%get3A_329] {strides = array<i32>} : memref<128xi32, #tpu.memory_space<vmem>>, vector<16xi32>,
    %get3A_331 = arith.constant 96 : index
    %get3A_332 = tpu.vector_load %arg5[%get3A_331] {strides = array<i32>} : memref<128xi32, #tpu.memory_space<vmem>>, vector<16xi32>,
    %shift_right_arithmetic3A_333 = arith.constant 3 : i32
    %shift_right_arithmetic3A_334 = vector.broadcast %shift_right_arithmetic3A_333 : i32 to vector<16xi32>
    %shift_right_arithmetic3A_335 = arith.shrsi %get3A_330, %shift_right_arithmetic3A_334 : vector<16xi32>
    %mul3A_336 = arith.constant 32 : i32
    %mul3A_337 = vector.broadcast %mul3A_336 : i32 to vector<16xi32>
    %mul3A_338 = arith.muli %shift_right_arithmetic3A_335, %mul3A_337 : vector<16xi32>
    %shift_right_arithmetic3A_339 = arith.constant 7 : i32
    %shift_right_arithmetic3A_340 = vector.broadcast %shift_right_arithmetic3A_339 : i32 to vector<16xi32>
    %shift_right_arithmetic3A_341 = arith.shrsi %get3A_332, %shift_right_arithmetic3A_340 : vector<16xi32>
    %mul3A_342 = arith.constant 8 : i32
    %mul3A_343 = vector.broadcast %mul3A_342 : i32 to vector<16xi32>
    %mul3A_344 = arith.muli %shift_right_arithmetic3A_341, %mul3A_343 : vector<16xi32>
    %add3A_345 = arith.addi %mul3A_338, %mul3A_344 : vector<16xi32>
    %and3A_346 = arith.constant 7 : i32
    %and3A_347 = vector.broadcast %and3A_346 : i32 to vector<16xi32>
    %and3A_348 = arith.andi %get3A_330, %and3A_347 : vector<16xi32>
    %add3A_349 = arith.addi %add3A_345, %and3A_348 : vector<16xi32>
    %add3A_350 = arith.constant 2 : i32
    %add3A_351 = arith.addi %mul3A_0, %add3A_350 : i32
    %mul3A_352 = arith.constant 4096 : i32
    %mul3A_353 = arith.muli %add3A_351, %mul3A_352 : i32
    %add3A_354 = vector.broadcast %mul3A_353 : i32 to vector<16xi32>
    %add3A_355 = arith.addi %add3A_349, %add3A_354 : vector<16xi32>
    %swap3A_356 = arith.constant 2 : i32
    %swap3A_357 = arith.index_cast %swap3A_356 : i32 to index
    %swap3A_358 = arith.constant 32 : index
    %swap3A_359 = tpu.vector_load %arg6[%swap3A_357, %swap3A_358] {strides = array<i32>} : memref<4x64xi32, #tpu.memory_space<vmem>>, vector<16xi32>,
    tpu.vector_store %arg6[%swap3A_357, %swap3A_358], %add3A_355 {strides = array<i32>} : memref<4x64xi32, #tpu.memory_space<vmem>>, vector<16xi32>,
    %get3A_360 = arith.constant 48 : index
    %get3A_361 = tpu.vector_load %arg5[%get3A_360] {strides = array<i32>} : memref<128xi32, #tpu.memory_space<vmem>>, vector<16xi32>,
    %get3A_362 = arith.constant 112 : index
    %get3A_363 = tpu.vector_load %arg5[%get3A_362] {strides = array<i32>} : memref<128xi32, #tpu.memory_space<vmem>>, vector<16xi32>,
    %shift_right_arithmetic3A_364 = arith.constant 3 : i32
    %shift_right_arithmetic3A_365 = vector.broadcast %shift_right_arithmetic3A_364 : i32 to vector<16xi32>
    %shift_right_arithmetic3A_366 = arith.shrsi %get3A_361, %shift_right_arithmetic3A_365 : vector<16xi32>
    %mul3A_367 = arith.constant 32 : i32
    %mul3A_368 = vector.broadcast %mul3A_367 : i32 to vector<16xi32>
    %mul3A_369 = arith.muli %shift_right_arithmetic3A_366, %mul3A_368 : vector<16xi32>
    %shift_right_arithmetic3A_370 = arith.constant 7 : i32
    %shift_right_arithmetic3A_371 = vector.broadcast %shift_right_arithmetic3A_370 : i32 to vector<16xi32>
    %shift_right_arithmetic3A_372 = arith.shrsi %get3A_363, %shift_right_arithmetic3A_371 : vector<16xi32>
    %mul3A_373 = arith.constant 8 : i32
    %mul3A_374 = vector.broadcast %mul3A_373 : i32 to vector<16xi32>
    %mul3A_375 = arith.muli %shift_right_arithmetic3A_372, %mul3A_374 : vector<16xi32>
    %add3A_376 = arith.addi %mul3A_369, %mul3A_375 : vector<16xi32>
    %and3A_377 = arith.constant 7 : i32
    %and3A_378 = vector.broadcast %and3A_377 : i32 to vector<16xi32>
    %and3A_379 = arith.andi %get3A_361, %and3A_378 : vector<16xi32>
    %add3A_380 = arith.addi %add3A_376, %and3A_379 : vector<16xi32>
    %add3A_381 = arith.constant 2 : i32
    %add3A_382 = arith.addi %mul3A_0, %add3A_381 : i32
    %mul3A_383 = arith.constant 4096 : i32
    %mul3A_384 = arith.muli %add3A_382, %mul3A_383 : i32
    %add3A_385 = vector.broadcast %mul3A_384 : i32 to vector<16xi32>
    %add3A_386 = arith.addi %add3A_380, %add3A_385 : vector<16xi32>
    %swap3A_387 = arith.constant 2 : i32
    %swap3A_388 = arith.index_cast %swap3A_387 : i32 to index
    %swap3A_389 = arith.constant 48 : index
    %swap3A_390 = tpu.vector_load %arg6[%swap3A_388, %swap3A_389] {strides = array<i32>} : memref<4x64xi32, #tpu.memory_space<vmem>>, vector<16xi32>,
    tpu.vector_store %arg6[%swap3A_388, %swap3A_389], %add3A_386 {strides = array<i32>} : memref<4x64xi32, #tpu.memory_space<vmem>>, vector<16xi32>,
    %dma_start3A_391 = arith.constant 2 : i32
    %dma_start3A_392 = arith.constant 2 : i32
    %dma_start3A_393 = arith.constant 0 : i32
    %dma_start3A_394 = arith.constant 0 : i32
    %dma_start3A_395 = tpu.memref_slice %arg7[%dma_start3A_392, %dma_start3A_393, %dma_start3A_394] : memref<4x64x128xf32, #tpu.memory_space<vmem>> -> memref<1x64x128xf32, #tpu.memory_space<vmem>>
    %dma_start3A_396 = tpu.memref_squeeze %dma_start3A_395 : memref<1x64x128xf32, #tpu.memory_space<vmem>> -> memref<64x128xf32, #tpu.memory_space<vmem>>
    %dma_start3A_397 = arith.constant 0 : i32
    %dma_start3A_398 = tpu.memref_slice %arg6[%dma_start3A_391, %dma_start3A_397] : memref<4x64xi32, #tpu.memory_space<vmem>> -> memref<1x64xi32, #tpu.memory_space<vmem>>
    %dma_start3A_399 = tpu.memref_squeeze %dma_start3A_398 : memref<1x64xi32, #tpu.memory_space<vmem>> -> memref<64xi32, #tpu.memory_space<vmem>>
    %dma_start3A_400 = arith.constant 0 : i32
    %dma_start3A_401 = arith.constant 0 : i32
    %dma_start3A_402 = tpu.memref_slice %arg2[%dma_start3A_400, %dma_start3A_401] : memref<262144x128xf32, #tpu.memory_space<hbm>> -> memref<262144x128xf32, #tpu.memory_space<hbm>>
    tpu.enqueue_indirect_dma source(%dma_start3A_402 : memref<262144x128xf32, #tpu.memory_space<hbm>>) target(%dma_start3A_396 : memref<64x128xf32, #tpu.memory_space<vmem>>) offsets(%dma_start3A_399 : memref<64xi32, #tpu.memory_space<vmem>>) semaphore(%arg11 : memref<!tpu.dma_semaphore, #tpu.memory_space<semaphore_mem>>)
    %get3A_403 = arith.constant 0 : index
    %get3A_404 = tpu.vector_load %arg5[%get3A_403] {strides = array<i32>} : memref<128xi32, #tpu.memory_space<vmem>>, vector<16xi32>,
    %get3A_405 = arith.constant 64 : index
    %get3A_406 = tpu.vector_load %arg5[%get3A_405] {strides = array<i32>} : memref<128xi32, #tpu.memory_space<vmem>>, vector<16xi32>,
    %shift_right_arithmetic3A_407 = arith.constant 3 : i32
    %shift_right_arithmetic3A_408 = vector.broadcast %shift_right_arithmetic3A_407 : i32 to vector<16xi32>
    %shift_right_arithmetic3A_409 = arith.shrsi %get3A_404, %shift_right_arithmetic3A_408 : vector<16xi32>
    %mul3A_410 = arith.constant 32 : i32
    %mul3A_411 = vector.broadcast %mul3A_410 : i32 to vector<16xi32>
    %mul3A_412 = arith.muli %shift_right_arithmetic3A_409, %mul3A_411 : vector<16xi32>
    %shift_right_arithmetic3A_413 = arith.constant 7 : i32
    %shift_right_arithmetic3A_414 = vector.broadcast %shift_right_arithmetic3A_413 : i32 to vector<16xi32>
    %shift_right_arithmetic3A_415 = arith.shrsi %get3A_406, %shift_right_arithmetic3A_414 : vector<16xi32>
    %mul3A_416 = arith.constant 8 : i32
    %mul3A_417 = vector.broadcast %mul3A_416 : i32 to vector<16xi32>
    %mul3A_418 = arith.muli %shift_right_arithmetic3A_415, %mul3A_417 : vector<16xi32>
    %add3A_419 = arith.addi %mul3A_412, %mul3A_418 : vector<16xi32>
    %and3A_420 = arith.constant 7 : i32
    %and3A_421 = vector.broadcast %and3A_420 : i32 to vector<16xi32>
    %and3A_422 = arith.andi %get3A_404, %and3A_421 : vector<16xi32>
    %add3A_423 = arith.addi %add3A_419, %and3A_422 : vector<16xi32>
    %add3A_424 = arith.constant 3 : i32
    %add3A_425 = arith.addi %mul3A_0, %add3A_424 : i32
    %mul3A_426 = arith.constant 4096 : i32
    %mul3A_427 = arith.muli %add3A_425, %mul3A_426 : i32
    %add3A_428 = vector.broadcast %mul3A_427 : i32 to vector<16xi32>
    %add3A_429 = arith.addi %add3A_423, %add3A_428 : vector<16xi32>
    %swap3A_430 = arith.constant 3 : i32
    %swap3A_431 = arith.index_cast %swap3A_430 : i32 to index
    %swap3A_432 = arith.constant 0 : index
    %swap3A_433 = tpu.vector_load %arg6[%swap3A_431, %swap3A_432] {strides = array<i32>} : memref<4x64xi32, #tpu.memory_space<vmem>>, vector<16xi32>,
    tpu.vector_store %arg6[%swap3A_431, %swap3A_432], %add3A_429 {strides = array<i32>} : memref<4x64xi32, #tpu.memory_space<vmem>>, vector<16xi32>,
    %get3A_434 = arith.constant 16 : index
    %get3A_435 = tpu.vector_load %arg5[%get3A_434] {strides = array<i32>} : memref<128xi32, #tpu.memory_space<vmem>>, vector<16xi32>,
    %get3A_436 = arith.constant 80 : index
    %get3A_437 = tpu.vector_load %arg5[%get3A_436] {strides = array<i32>} : memref<128xi32, #tpu.memory_space<vmem>>, vector<16xi32>,
    %shift_right_arithmetic3A_438 = arith.constant 3 : i32
    %shift_right_arithmetic3A_439 = vector.broadcast %shift_right_arithmetic3A_438 : i32 to vector<16xi32>
    %shift_right_arithmetic3A_440 = arith.shrsi %get3A_435, %shift_right_arithmetic3A_439 : vector<16xi32>
    %mul3A_441 = arith.constant 32 : i32
    %mul3A_442 = vector.broadcast %mul3A_441 : i32 to vector<16xi32>
    %mul3A_443 = arith.muli %shift_right_arithmetic3A_440, %mul3A_442 : vector<16xi32>
    %shift_right_arithmetic3A_444 = arith.constant 7 : i32
    %shift_right_arithmetic3A_445 = vector.broadcast %shift_right_arithmetic3A_444 : i32 to vector<16xi32>
    %shift_right_arithmetic3A_446 = arith.shrsi %get3A_437, %shift_right_arithmetic3A_445 : vector<16xi32>
    %mul3A_447 = arith.constant 8 : i32
    %mul3A_448 = vector.broadcast %mul3A_447 : i32 to vector<16xi32>
    %mul3A_449 = arith.muli %shift_right_arithmetic3A_446, %mul3A_448 : vector<16xi32>
    %add3A_450 = arith.addi %mul3A_443, %mul3A_449 : vector<16xi32>
    %and3A_451 = arith.constant 7 : i32
    %and3A_452 = vector.broadcast %and3A_451 : i32 to vector<16xi32>
    %and3A_453 = arith.andi %get3A_435, %and3A_452 : vector<16xi32>
    %add3A_454 = arith.addi %add3A_450, %and3A_453 : vector<16xi32>
    %add3A_455 = arith.constant 3 : i32
    %add3A_456 = arith.addi %mul3A_0, %add3A_455 : i32
    %mul3A_457 = arith.constant 4096 : i32
    %mul3A_458 = arith.muli %add3A_456, %mul3A_457 : i32
    %add3A_459 = vector.broadcast %mul3A_458 : i32 to vector<16xi32>
    %add3A_460 = arith.addi %add3A_454, %add3A_459 : vector<16xi32>
    %swap3A_461 = arith.constant 3 : i32
    %swap3A_462 = arith.index_cast %swap3A_461 : i32 to index
    %swap3A_463 = arith.constant 16 : index
    %swap3A_464 = tpu.vector_load %arg6[%swap3A_462, %swap3A_463] {strides = array<i32>} : memref<4x64xi32, #tpu.memory_space<vmem>>, vector<16xi32>,
    tpu.vector_store %arg6[%swap3A_462, %swap3A_463], %add3A_460 {strides = array<i32>} : memref<4x64xi32, #tpu.memory_space<vmem>>, vector<16xi32>,
    %get3A_465 = arith.constant 32 : index
    %get3A_466 = tpu.vector_load %arg5[%get3A_465] {strides = array<i32>} : memref<128xi32, #tpu.memory_space<vmem>>, vector<16xi32>,
    %get3A_467 = arith.constant 96 : index
    %get3A_468 = tpu.vector_load %arg5[%get3A_467] {strides = array<i32>} : memref<128xi32, #tpu.memory_space<vmem>>, vector<16xi32>,
    %shift_right_arithmetic3A_469 = arith.constant 3 : i32
    %shift_right_arithmetic3A_470 = vector.broadcast %shift_right_arithmetic3A_469 : i32 to vector<16xi32>
    %shift_right_arithmetic3A_471 = arith.shrsi %get3A_466, %shift_right_arithmetic3A_470 : vector<16xi32>
    %mul3A_472 = arith.constant 32 : i32
    %mul3A_473 = vector.broadcast %mul3A_472 : i32 to vector<16xi32>
    %mul3A_474 = arith.muli %shift_right_arithmetic3A_471, %mul3A_473 : vector<16xi32>
    %shift_right_arithmetic3A_475 = arith.constant 7 : i32
    %shift_right_arithmetic3A_476 = vector.broadcast %shift_right_arithmetic3A_475 : i32 to vector<16xi32>
    %shift_right_arithmetic3A_477 = arith.shrsi %get3A_468, %shift_right_arithmetic3A_476 : vector<16xi32>
    %mul3A_478 = arith.constant 8 : i32
    %mul3A_479 = vector.broadcast %mul3A_478 : i32 to vector<16xi32>
    %mul3A_480 = arith.muli %shift_right_arithmetic3A_477, %mul3A_479 : vector<16xi32>
    %add3A_481 = arith.addi %mul3A_474, %mul3A_480 : vector<16xi32>
    %and3A_482 = arith.constant 7 : i32
    %and3A_483 = vector.broadcast %and3A_482 : i32 to vector<16xi32>
    %and3A_484 = arith.andi %get3A_466, %and3A_483 : vector<16xi32>
    %add3A_485 = arith.addi %add3A_481, %and3A_484 : vector<16xi32>
    %add3A_486 = arith.constant 3 : i32
    %add3A_487 = arith.addi %mul3A_0, %add3A_486 : i32
    %mul3A_488 = arith.constant 4096 : i32
    %mul3A_489 = arith.muli %add3A_487, %mul3A_488 : i32
    %add3A_490 = vector.broadcast %mul3A_489 : i32 to vector<16xi32>
    %add3A_491 = arith.addi %add3A_485, %add3A_490 : vector<16xi32>
    %swap3A_492 = arith.constant 3 : i32
    %swap3A_493 = arith.index_cast %swap3A_492 : i32 to index
    %swap3A_494 = arith.constant 32 : index
    %swap3A_495 = tpu.vector_load %arg6[%swap3A_493, %swap3A_494] {strides = array<i32>} : memref<4x64xi32, #tpu.memory_space<vmem>>, vector<16xi32>,
    tpu.vector_store %arg6[%swap3A_493, %swap3A_494], %add3A_491 {strides = array<i32>} : memref<4x64xi32, #tpu.memory_space<vmem>>, vector<16xi32>,
    %get3A_496 = arith.constant 48 : index
    %get3A_497 = tpu.vector_load %arg5[%get3A_496] {strides = array<i32>} : memref<128xi32, #tpu.memory_space<vmem>>, vector<16xi32>,
    %get3A_498 = arith.constant 112 : index
    %get3A_499 = tpu.vector_load %arg5[%get3A_498] {strides = array<i32>} : memref<128xi32, #tpu.memory_space<vmem>>, vector<16xi32>,
    %shift_right_arithmetic3A_500 = arith.constant 3 : i32
    %shift_right_arithmetic3A_501 = vector.broadcast %shift_right_arithmetic3A_500 : i32 to vector<16xi32>
    %shift_right_arithmetic3A_502 = arith.shrsi %get3A_497, %shift_right_arithmetic3A_501 : vector<16xi32>
    %mul3A_503 = arith.constant 32 : i32
    %mul3A_504 = vector.broadcast %mul3A_503 : i32 to vector<16xi32>
    %mul3A_505 = arith.muli %shift_right_arithmetic3A_502, %mul3A_504 : vector<16xi32>
    %shift_right_arithmetic3A_506 = arith.constant 7 : i32
    %shift_right_arithmetic3A_507 = vector.broadcast %shift_right_arithmetic3A_506 : i32 to vector<16xi32>
    %shift_right_arithmetic3A_508 = arith.shrsi %get3A_499, %shift_right_arithmetic3A_507 : vector<16xi32>
    %mul3A_509 = arith.constant 8 : i32
    %mul3A_510 = vector.broadcast %mul3A_509 : i32 to vector<16xi32>
    %mul3A_511 = arith.muli %shift_right_arithmetic3A_508, %mul3A_510 : vector<16xi32>
    %add3A_512 = arith.addi %mul3A_505, %mul3A_511 : vector<16xi32>
    %and3A_513 = arith.constant 7 : i32
    %and3A_514 = vector.broadcast %and3A_513 : i32 to vector<16xi32>
    %and3A_515 = arith.andi %get3A_497, %and3A_514 : vector<16xi32>
    %add3A_516 = arith.addi %add3A_512, %and3A_515 : vector<16xi32>
    %add3A_517 = arith.constant 3 : i32
    %add3A_518 = arith.addi %mul3A_0, %add3A_517 : i32
    %mul3A_519 = arith.constant 4096 : i32
    %mul3A_520 = arith.muli %add3A_518, %mul3A_519 : i32
    %add3A_521 = vector.broadcast %mul3A_520 : i32 to vector<16xi32>
    %add3A_522 = arith.addi %add3A_516, %add3A_521 : vector<16xi32>
    %swap3A_523 = arith.constant 3 : i32
    %swap3A_524 = arith.index_cast %swap3A_523 : i32 to index
    %swap3A_525 = arith.constant 48 : index
    %swap3A_526 = tpu.vector_load %arg6[%swap3A_524, %swap3A_525] {strides = array<i32>} : memref<4x64xi32, #tpu.memory_space<vmem>>, vector<16xi32>,
    tpu.vector_store %arg6[%swap3A_524, %swap3A_525], %add3A_522 {strides = array<i32>} : memref<4x64xi32, #tpu.memory_space<vmem>>, vector<16xi32>,
    %dma_start3A_527 = arith.constant 3 : i32
    %dma_start3A_528 = arith.constant 3 : i32
    %dma_start3A_529 = arith.constant 0 : i32
    %dma_start3A_530 = arith.constant 0 : i32
    %dma_start3A_531 = tpu.memref_slice %arg7[%dma_start3A_528, %dma_start3A_529, %dma_start3A_530] : memref<4x64x128xf32, #tpu.memory_space<vmem>> -> memref<1x64x128xf32, #tpu.memory_space<vmem>>
    %dma_start3A_532 = tpu.memref_squeeze %dma_start3A_531 : memref<1x64x128xf32, #tpu.memory_space<vmem>> -> memref<64x128xf32, #tpu.memory_space<vmem>>
    %dma_start3A_533 = arith.constant 0 : i32
    %dma_start3A_534 = tpu.memref_slice %arg6[%dma_start3A_527, %dma_start3A_533] : memref<4x64xi32, #tpu.memory_space<vmem>> -> memref<1x64xi32, #tpu.memory_space<vmem>>
    %dma_start3A_535 = tpu.memref_squeeze %dma_start3A_534 : memref<1x64xi32, #tpu.memory_space<vmem>> -> memref<64xi32, #tpu.memory_space<vmem>>
    %dma_start3A_536 = arith.constant 0 : i32
    %dma_start3A_537 = arith.constant 0 : i32
    %dma_start3A_538 = tpu.memref_slice %arg2[%dma_start3A_536, %dma_start3A_537] : memref<262144x128xf32, #tpu.memory_space<hbm>> -> memref<262144x128xf32, #tpu.memory_space<hbm>>
    tpu.enqueue_indirect_dma source(%dma_start3A_538 : memref<262144x128xf32, #tpu.memory_space<hbm>>) target(%dma_start3A_532 : memref<64x128xf32, #tpu.memory_space<vmem>>) offsets(%dma_start3A_535 : memref<64xi32, #tpu.memory_space<vmem>>) semaphore(%arg12 : memref<!tpu.dma_semaphore, #tpu.memory_space<semaphore_mem>>)
    %dma_wait3A = arith.constant 0 : i32
    %dma_wait3A_539 = arith.constant 0 : i32
    %dma_wait3A_540 = arith.constant 0 : i32
    %dma_wait3A_541 = arith.constant 0 : i32
    %dma_wait3A_542 = tpu.memref_slice %arg7[%dma_wait3A_539, %dma_wait3A_540, %dma_wait3A_541] : memref<4x64x128xf32, #tpu.memory_space<vmem>> -> memref<1x64x128xf32, #tpu.memory_space<vmem>>
    %dma_wait3A_543 = tpu.memref_squeeze %dma_wait3A_542 : memref<1x64x128xf32, #tpu.memory_space<vmem>> -> memref<64x128xf32, #tpu.memory_space<vmem>>
    %dma_wait3A_544 = arith.constant 0 : i32
    %dma_wait3A_545 = tpu.memref_slice %arg6[%dma_wait3A, %dma_wait3A_544] : memref<4x64xi32, #tpu.memory_space<vmem>> -> memref<1x64xi32, #tpu.memory_space<vmem>>
    %dma_wait3A_546 = tpu.memref_squeeze %dma_wait3A_545 : memref<1x64xi32, #tpu.memory_space<vmem>> -> memref<64xi32, #tpu.memory_space<vmem>>
    %dma_wait3A_547 = arith.constant 0 : i32
    %dma_wait3A_548 = arith.constant 0 : i32
    %dma_wait3A_549 = tpu.memref_slice %arg2[%dma_wait3A_547, %dma_wait3A_548] : memref<262144x128xf32, #tpu.memory_space<hbm>> -> memref<262144x128xf32, #tpu.memory_space<hbm>>
    tpu.wait_indirect_dma semaphore(%arg9 : memref<!tpu.dma_semaphore, #tpu.memory_space<semaphore_mem>>) src(%dma_wait3A_549 : memref<262144x128xf32, #tpu.memory_space<hbm>>) dst(%dma_wait3A_543 : memref<64x128xf32, #tpu.memory_space<vmem>>)
    %iota3A = tpu.iota {dimensions = array<i32: 0>} : vector<16xi32>
    %add3A_550 = arith.constant 0 : i32
    %add3A_551 = vector.broadcast %add3A_550 : i32 to vector<16xi32>
    %add3A_552 = arith.addi %iota3A, %add3A_551 : vector<16xi32>
    %get3A_553 = arith.constant 64 : index
    %get3A_554 = tpu.vector_load %arg5[%get3A_553] {strides = array<i32>} : memref<128xi32, #tpu.memory_space<vmem>>, vector<16xi32>,
    %and3A_555 = arith.constant 127 : i32
    %and3A_556 = vector.broadcast %and3A_555 : i32 to vector<16xi32>
    %and3A_557 = arith.andi %get3A_554, %and3A_556 : vector<16xi32>
    %gather3A = arith.constant 0 : i32
    %gather3A_558 = arith.constant 0 : i32
    %gather3A_559 = arith.constant 0 : i32
    %gather3A_560 = tpu.memref_slice %arg7[%gather3A, %gather3A_558, %gather3A_559] : memref<4x64x128xf32, #tpu.memory_space<vmem>> -> memref<1x64x128xf32, #tpu.memory_space<vmem>>
    %gather3A_561 = tpu.memref_squeeze %gather3A_560 : memref<1x64x128xf32, #tpu.memory_space<vmem>> -> memref<64x128xf32, #tpu.memory_space<vmem>>
    %gather3A_562 = tpu.vector_load_idx %gather3A_561[%add3A_552, %and3A_557] : memref<64x128xf32, #tpu.memory_space<vmem>>[vector<16xi32>, vector<16xi32>], vector<16xf32>,
    %swap3A_563 = arith.constant 0 : i32
    %swap3A_564 = arith.index_cast %swap3A_563 : i32 to index
    %swap3A_565 = arith.constant 0 : index
    %swap3A_566 = tpu.vector_load %arg8[%swap3A_564, %swap3A_565] {strides = array<i32>} : memref<4x64xf32, #tpu.memory_space<vmem>>, vector<16xf32>,
    tpu.vector_store %arg8[%swap3A_564, %swap3A_565], %gather3A_562 {strides = array<i32>} : memref<4x64xf32, #tpu.memory_space<vmem>>, vector<16xf32>,
    %iota3A_567 = tpu.iota {dimensions = array<i32: 0>} : vector<16xi32>
    %add3A_568 = arith.constant 16 : i32
    %add3A_569 = vector.broadcast %add3A_568 : i32 to vector<16xi32>
    %add3A_570 = arith.addi %iota3A_567, %add3A_569 : vector<16xi32>
    %get3A_571 = arith.constant 80 : index
    %get3A_572 = tpu.vector_load %arg5[%get3A_571] {strides = array<i32>} : memref<128xi32, #tpu.memory_space<vmem>>, vector<16xi32>,
    %and3A_573 = arith.constant 127 : i32
    %and3A_574 = vector.broadcast %and3A_573 : i32 to vector<16xi32>
    %and3A_575 = arith.andi %get3A_572, %and3A_574 : vector<16xi32>
    %gather3A_576 = arith.constant 0 : i32
    %gather3A_577 = arith.constant 0 : i32
    %gather3A_578 = arith.constant 0 : i32
    %gather3A_579 = tpu.memref_slice %arg7[%gather3A_576, %gather3A_577, %gather3A_578] : memref<4x64x128xf32, #tpu.memory_space<vmem>> -> memref<1x64x128xf32, #tpu.memory_space<vmem>>
    %gather3A_580 = tpu.memref_squeeze %gather3A_579 : memref<1x64x128xf32, #tpu.memory_space<vmem>> -> memref<64x128xf32, #tpu.memory_space<vmem>>
    %gather3A_581 = tpu.vector_load_idx %gather3A_580[%add3A_570, %and3A_575] : memref<64x128xf32, #tpu.memory_space<vmem>>[vector<16xi32>, vector<16xi32>], vector<16xf32>,
    %swap3A_582 = arith.constant 0 : i32
    %swap3A_583 = arith.index_cast %swap3A_582 : i32 to index
    %swap3A_584 = arith.constant 16 : index
    %swap3A_585 = tpu.vector_load %arg8[%swap3A_583, %swap3A_584] {strides = array<i32>} : memref<4x64xf32, #tpu.memory_space<vmem>>, vector<16xf32>,
    tpu.vector_store %arg8[%swap3A_583, %swap3A_584], %gather3A_581 {strides = array<i32>} : memref<4x64xf32, #tpu.memory_space<vmem>>, vector<16xf32>,
    %iota3A_586 = tpu.iota {dimensions = array<i32: 0>} : vector<16xi32>
    %add3A_587 = arith.constant 32 : i32
    %add3A_588 = vector.broadcast %add3A_587 : i32 to vector<16xi32>
    %add3A_589 = arith.addi %iota3A_586, %add3A_588 : vector<16xi32>
    %get3A_590 = arith.constant 96 : index
    %get3A_591 = tpu.vector_load %arg5[%get3A_590] {strides = array<i32>} : memref<128xi32, #tpu.memory_space<vmem>>, vector<16xi32>,
    %and3A_592 = arith.constant 127 : i32
    %and3A_593 = vector.broadcast %and3A_592 : i32 to vector<16xi32>
    %and3A_594 = arith.andi %get3A_591, %and3A_593 : vector<16xi32>
    %gather3A_595 = arith.constant 0 : i32
    %gather3A_596 = arith.constant 0 : i32
    %gather3A_597 = arith.constant 0 : i32
    %gather3A_598 = tpu.memref_slice %arg7[%gather3A_595, %gather3A_596, %gather3A_597] : memref<4x64x128xf32, #tpu.memory_space<vmem>> -> memref<1x64x128xf32, #tpu.memory_space<vmem>>
    %gather3A_599 = tpu.memref_squeeze %gather3A_598 : memref<1x64x128xf32, #tpu.memory_space<vmem>> -> memref<64x128xf32, #tpu.memory_space<vmem>>
    %gather3A_600 = tpu.vector_load_idx %gather3A_599[%add3A_589, %and3A_594] : memref<64x128xf32, #tpu.memory_space<vmem>>[vector<16xi32>, vector<16xi32>], vector<16xf32>,
    %swap3A_601 = arith.constant 0 : i32
    %swap3A_602 = arith.index_cast %swap3A_601 : i32 to index
    %swap3A_603 = arith.constant 32 : index
    %swap3A_604 = tpu.vector_load %arg8[%swap3A_602, %swap3A_603] {strides = array<i32>} : memref<4x64xf32, #tpu.memory_space<vmem>>, vector<16xf32>,
    tpu.vector_store %arg8[%swap3A_602, %swap3A_603], %gather3A_600 {strides = array<i32>} : memref<4x64xf32, #tpu.memory_space<vmem>>, vector<16xf32>,
    %iota3A_605 = tpu.iota {dimensions = array<i32: 0>} : vector<16xi32>
    %add3A_606 = arith.constant 48 : i32
    %add3A_607 = vector.broadcast %add3A_606 : i32 to vector<16xi32>
    %add3A_608 = arith.addi %iota3A_605, %add3A_607 : vector<16xi32>
    %get3A_609 = arith.constant 112 : index
    %get3A_610 = tpu.vector_load %arg5[%get3A_609] {strides = array<i32>} : memref<128xi32, #tpu.memory_space<vmem>>, vector<16xi32>,
    %and3A_611 = arith.constant 127 : i32
    %and3A_612 = vector.broadcast %and3A_611 : i32 to vector<16xi32>
    %and3A_613 = arith.andi %get3A_610, %and3A_612 : vector<16xi32>
    %gather3A_614 = arith.constant 0 : i32
    %gather3A_615 = arith.constant 0 : i32
    %gather3A_616 = arith.constant 0 : i32
    %gather3A_617 = tpu.memref_slice %arg7[%gather3A_614, %gather3A_615, %gather3A_616] : memref<4x64x128xf32, #tpu.memory_space<vmem>> -> memref<1x64x128xf32, #tpu.memory_space<vmem>>
    %gather3A_618 = tpu.memref_squeeze %gather3A_617 : memref<1x64x128xf32, #tpu.memory_space<vmem>> -> memref<64x128xf32, #tpu.memory_space<vmem>>
    %gather3A_619 = tpu.vector_load_idx %gather3A_618[%add3A_608, %and3A_613] : memref<64x128xf32, #tpu.memory_space<vmem>>[vector<16xi32>, vector<16xi32>], vector<16xf32>,
    %swap3A_620 = arith.constant 0 : i32
    %swap3A_621 = arith.index_cast %swap3A_620 : i32 to index
    %swap3A_622 = arith.constant 48 : index
    %swap3A_623 = tpu.vector_load %arg8[%swap3A_621, %swap3A_622] {strides = array<i32>} : memref<4x64xf32, #tpu.memory_space<vmem>>, vector<16xf32>,
    tpu.vector_store %arg8[%swap3A_621, %swap3A_622], %gather3A_619 {strides = array<i32>} : memref<4x64xf32, #tpu.memory_space<vmem>>, vector<16xf32>,
    %add3A_624 = arith.constant 0 : i32
    %add3A_625 = arith.addi %mul3A_0, %add3A_624 : i32
    %dma_start3A_626 = arith.constant 0 : i32
    %dma_start3A_627 = arith.constant 0 : i32
    %dma_start3A_628 = tpu.memref_slice %arg8[%dma_start3A_626, %dma_start3A_627] : memref<4x64xf32, #tpu.memory_space<vmem>> -> memref<1x64xf32, #tpu.memory_space<vmem>>
    %dma_start3A_629 = tpu.memref_squeeze %dma_start3A_628 : memref<1x64xf32, #tpu.memory_space<vmem>> -> memref<64xf32, #tpu.memory_space<vmem>>
    %dma_start3A_630 = arith.constant 0 : i32
    %dma_start3A_631 = tpu.memref_slice %arg4[%add3A_625, %dma_start3A_630] : memref<64x64xf32, #tpu.memory_space<hbm>> -> memref<1x64xf32, #tpu.memory_space<hbm>>
    %dma_start3A_632 = tpu.memref_squeeze %dma_start3A_631 : memref<1x64xf32, #tpu.memory_space<hbm>> -> memref<64xf32, #tpu.memory_space<hbm>>
    %dma_start3A_633 = arith.constant 0 : i32
    %dma_start3A_634 = tpu.memref_slice %arg4[%add3A_625, %dma_start3A_633] : memref<64x64xf32, #tpu.memory_space<hbm>> -> memref<1x64xf32, #tpu.memory_space<hbm>>
    %dma_start3A_635 = tpu.memref_squeeze %dma_start3A_634 : memref<1x64xf32, #tpu.memory_space<hbm>> -> memref<64xf32, #tpu.memory_space<hbm>>
    %dma_start3A_636 = arith.constant 0 : i32
    %dma_start3A_637 = tpu.memref_slice %arg8[%dma_start3A_626, %dma_start3A_636] : memref<4x64xf32, #tpu.memory_space<vmem>> -> memref<1x64xf32, #tpu.memory_space<vmem>>
    %dma_start3A_638 = tpu.memref_squeeze %dma_start3A_637 : memref<1x64xf32, #tpu.memory_space<vmem>> -> memref<64xf32, #tpu.memory_space<vmem>>
    tpu.enqueue_dma source(%dma_start3A_638 : memref<64xf32, #tpu.memory_space<vmem>>) target(%dma_start3A_635 : memref<64xf32, #tpu.memory_space<hbm>>) target_semaphore(%arg13 : memref<!tpu.dma_semaphore, #tpu.memory_space<semaphore_mem>>)
    %dma_wait3A_639 = arith.constant 1 : i32
    %dma_wait3A_640 = arith.constant 1 : i32
    %dma_wait3A_641 = arith.constant 0 : i32
    %dma_wait3A_642 = arith.constant 0 : i32
    %dma_wait3A_643 = tpu.memref_slice %arg7[%dma_wait3A_640, %dma_wait3A_641, %dma_wait3A_642] : memref<4x64x128xf32, #tpu.memory_space<vmem>> -> memref<1x64x128xf32, #tpu.memory_space<vmem>>
    %dma_wait3A_644 = tpu.memref_squeeze %dma_wait3A_643 : memref<1x64x128xf32, #tpu.memory_space<vmem>> -> memref<64x128xf32, #tpu.memory_space<vmem>>
    %dma_wait3A_645 = arith.constant 0 : i32
    %dma_wait3A_646 = tpu.memref_slice %arg6[%dma_wait3A_639, %dma_wait3A_645] : memref<4x64xi32, #tpu.memory_space<vmem>> -> memref<1x64xi32, #tpu.memory_space<vmem>>
    %dma_wait3A_647 = tpu.memref_squeeze %dma_wait3A_646 : memref<1x64xi32, #tpu.memory_space<vmem>> -> memref<64xi32, #tpu.memory_space<vmem>>
    %dma_wait3A_648 = arith.constant 0 : i32
    %dma_wait3A_649 = arith.constant 0 : i32
    %dma_wait3A_650 = tpu.memref_slice %arg2[%dma_wait3A_648, %dma_wait3A_649] : memref<262144x128xf32, #tpu.memory_space<hbm>> -> memref<262144x128xf32, #tpu.memory_space<hbm>>
    tpu.wait_indirect_dma semaphore(%arg10 : memref<!tpu.dma_semaphore, #tpu.memory_space<semaphore_mem>>) src(%dma_wait3A_650 : memref<262144x128xf32, #tpu.memory_space<hbm>>) dst(%dma_wait3A_644 : memref<64x128xf32, #tpu.memory_space<vmem>>)
    %iota3A_651 = tpu.iota {dimensions = array<i32: 0>} : vector<16xi32>
    %add3A_652 = arith.constant 0 : i32
    %add3A_653 = vector.broadcast %add3A_652 : i32 to vector<16xi32>
    %add3A_654 = arith.addi %iota3A_651, %add3A_653 : vector<16xi32>
    %get3A_655 = arith.constant 64 : index
    %get3A_656 = tpu.vector_load %arg5[%get3A_655] {strides = array<i32>} : memref<128xi32, #tpu.memory_space<vmem>>, vector<16xi32>,
    %and3A_657 = arith.constant 127 : i32
    %and3A_658 = vector.broadcast %and3A_657 : i32 to vector<16xi32>
    %and3A_659 = arith.andi %get3A_656, %and3A_658 : vector<16xi32>
    %gather3A_660 = arith.constant 1 : i32
    %gather3A_661 = arith.constant 0 : i32
    %gather3A_662 = arith.constant 0 : i32
    %gather3A_663 = tpu.memref_slice %arg7[%gather3A_660, %gather3A_661, %gather3A_662] : memref<4x64x128xf32, #tpu.memory_space<vmem>> -> memref<1x64x128xf32, #tpu.memory_space<vmem>>
    %gather3A_664 = tpu.memref_squeeze %gather3A_663 : memref<1x64x128xf32, #tpu.memory_space<vmem>> -> memref<64x128xf32, #tpu.memory_space<vmem>>
    %gather3A_665 = tpu.vector_load_idx %gather3A_664[%add3A_654, %and3A_659] : memref<64x128xf32, #tpu.memory_space<vmem>>[vector<16xi32>, vector<16xi32>], vector<16xf32>,
    %swap3A_666 = arith.constant 1 : i32
    %swap3A_667 = arith.index_cast %swap3A_666 : i32 to index
    %swap3A_668 = arith.constant 0 : index
    %swap3A_669 = tpu.vector_load %arg8[%swap3A_667, %swap3A_668] {strides = array<i32>} : memref<4x64xf32, #tpu.memory_space<vmem>>, vector<16xf32>,
    tpu.vector_store %arg8[%swap3A_667, %swap3A_668], %gather3A_665 {strides = array<i32>} : memref<4x64xf32, #tpu.memory_space<vmem>>, vector<16xf32>,
    %iota3A_670 = tpu.iota {dimensions = array<i32: 0>} : vector<16xi32>
    %add3A_671 = arith.constant 16 : i32
    %add3A_672 = vector.broadcast %add3A_671 : i32 to vector<16xi32>
    %add3A_673 = arith.addi %iota3A_670, %add3A_672 : vector<16xi32>
    %get3A_674 = arith.constant 80 : index
    %get3A_675 = tpu.vector_load %arg5[%get3A_674] {strides = array<i32>} : memref<128xi32, #tpu.memory_space<vmem>>, vector<16xi32>,
    %and3A_676 = arith.constant 127 : i32
    %and3A_677 = vector.broadcast %and3A_676 : i32 to vector<16xi32>
    %and3A_678 = arith.andi %get3A_675, %and3A_677 : vector<16xi32>
    %gather3A_679 = arith.constant 1 : i32
    %gather3A_680 = arith.constant 0 : i32
    %gather3A_681 = arith.constant 0 : i32
    %gather3A_682 = tpu.memref_slice %arg7[%gather3A_679, %gather3A_680, %gather3A_681] : memref<4x64x128xf32, #tpu.memory_space<vmem>> -> memref<1x64x128xf32, #tpu.memory_space<vmem>>
    %gather3A_683 = tpu.memref_squeeze %gather3A_682 : memref<1x64x128xf32, #tpu.memory_space<vmem>> -> memref<64x128xf32, #tpu.memory_space<vmem>>
    %gather3A_684 = tpu.vector_load_idx %gather3A_683[%add3A_673, %and3A_678] : memref<64x128xf32, #tpu.memory_space<vmem>>[vector<16xi32>, vector<16xi32>], vector<16xf32>,
    %swap3A_685 = arith.constant 1 : i32
    %swap3A_686 = arith.index_cast %swap3A_685 : i32 to index
    %swap3A_687 = arith.constant 16 : index
    %swap3A_688 = tpu.vector_load %arg8[%swap3A_686, %swap3A_687] {strides = array<i32>} : memref<4x64xf32, #tpu.memory_space<vmem>>, vector<16xf32>,
    tpu.vector_store %arg8[%swap3A_686, %swap3A_687], %gather3A_684 {strides = array<i32>} : memref<4x64xf32, #tpu.memory_space<vmem>>, vector<16xf32>,
    %iota3A_689 = tpu.iota {dimensions = array<i32: 0>} : vector<16xi32>
    %add3A_690 = arith.constant 32 : i32
    %add3A_691 = vector.broadcast %add3A_690 : i32 to vector<16xi32>
    %add3A_692 = arith.addi %iota3A_689, %add3A_691 : vector<16xi32>
    %get3A_693 = arith.constant 96 : index
    %get3A_694 = tpu.vector_load %arg5[%get3A_693] {strides = array<i32>} : memref<128xi32, #tpu.memory_space<vmem>>, vector<16xi32>,
    %and3A_695 = arith.constant 127 : i32
    %and3A_696 = vector.broadcast %and3A_695 : i32 to vector<16xi32>
    %and3A_697 = arith.andi %get3A_694, %and3A_696 : vector<16xi32>
    %gather3A_698 = arith.constant 1 : i32
    %gather3A_699 = arith.constant 0 : i32
    %gather3A_700 = arith.constant 0 : i32
    %gather3A_701 = tpu.memref_slice %arg7[%gather3A_698, %gather3A_699, %gather3A_700] : memref<4x64x128xf32, #tpu.memory_space<vmem>> -> memref<1x64x128xf32, #tpu.memory_space<vmem>>
    %gather3A_702 = tpu.memref_squeeze %gather3A_701 : memref<1x64x128xf32, #tpu.memory_space<vmem>> -> memref<64x128xf32, #tpu.memory_space<vmem>>
    %gather3A_703 = tpu.vector_load_idx %gather3A_702[%add3A_692, %and3A_697] : memref<64x128xf32, #tpu.memory_space<vmem>>[vector<16xi32>, vector<16xi32>], vector<16xf32>,
    %swap3A_704 = arith.constant 1 : i32
    %swap3A_705 = arith.index_cast %swap3A_704 : i32 to index
    %swap3A_706 = arith.constant 32 : index
    %swap3A_707 = tpu.vector_load %arg8[%swap3A_705, %swap3A_706] {strides = array<i32>} : memref<4x64xf32, #tpu.memory_space<vmem>>, vector<16xf32>,
    tpu.vector_store %arg8[%swap3A_705, %swap3A_706], %gather3A_703 {strides = array<i32>} : memref<4x64xf32, #tpu.memory_space<vmem>>, vector<16xf32>,
    %iota3A_708 = tpu.iota {dimensions = array<i32: 0>} : vector<16xi32>
    %add3A_709 = arith.constant 48 : i32
    %add3A_710 = vector.broadcast %add3A_709 : i32 to vector<16xi32>
    %add3A_711 = arith.addi %iota3A_708, %add3A_710 : vector<16xi32>
    %get3A_712 = arith.constant 112 : index
    %get3A_713 = tpu.vector_load %arg5[%get3A_712] {strides = array<i32>} : memref<128xi32, #tpu.memory_space<vmem>>, vector<16xi32>,
    %and3A_714 = arith.constant 127 : i32
    %and3A_715 = vector.broadcast %and3A_714 : i32 to vector<16xi32>
    %and3A_716 = arith.andi %get3A_713, %and3A_715 : vector<16xi32>
    %gather3A_717 = arith.constant 1 : i32
    %gather3A_718 = arith.constant 0 : i32
    %gather3A_719 = arith.constant 0 : i32
    %gather3A_720 = tpu.memref_slice %arg7[%gather3A_717, %gather3A_718, %gather3A_719] : memref<4x64x128xf32, #tpu.memory_space<vmem>> -> memref<1x64x128xf32, #tpu.memory_space<vmem>>
    %gather3A_721 = tpu.memref_squeeze %gather3A_720 : memref<1x64x128xf32, #tpu.memory_space<vmem>> -> memref<64x128xf32, #tpu.memory_space<vmem>>
    %gather3A_722 = tpu.vector_load_idx %gather3A_721[%add3A_711, %and3A_716] : memref<64x128xf32, #tpu.memory_space<vmem>>[vector<16xi32>, vector<16xi32>], vector<16xf32>,
    %swap3A_723 = arith.constant 1 : i32
    %swap3A_724 = arith.index_cast %swap3A_723 : i32 to index
    %swap3A_725 = arith.constant 48 : index
    %swap3A_726 = tpu.vector_load %arg8[%swap3A_724, %swap3A_725] {strides = array<i32>} : memref<4x64xf32, #tpu.memory_space<vmem>>, vector<16xf32>,
    tpu.vector_store %arg8[%swap3A_724, %swap3A_725], %gather3A_722 {strides = array<i32>} : memref<4x64xf32, #tpu.memory_space<vmem>>, vector<16xf32>,
    %add3A_727 = arith.constant 1 : i32
    %add3A_728 = arith.addi %mul3A_0, %add3A_727 : i32
    %dma_start3A_729 = arith.constant 1 : i32
    %dma_start3A_730 = arith.constant 0 : i32
    %dma_start3A_731 = tpu.memref_slice %arg8[%dma_start3A_729, %dma_start3A_730] : memref<4x64xf32, #tpu.memory_space<vmem>> -> memref<1x64xf32, #tpu.memory_space<vmem>>
    %dma_start3A_732 = tpu.memref_squeeze %dma_start3A_731 : memref<1x64xf32, #tpu.memory_space<vmem>> -> memref<64xf32, #tpu.memory_space<vmem>>
    %dma_start3A_733 = arith.constant 0 : i32
    %dma_start3A_734 = tpu.memref_slice %arg4[%add3A_728, %dma_start3A_733] : memref<64x64xf32, #tpu.memory_space<hbm>> -> memref<1x64xf32, #tpu.memory_space<hbm>>
    %dma_start3A_735 = tpu.memref_squeeze %dma_start3A_734 : memref<1x64xf32, #tpu.memory_space<hbm>> -> memref<64xf32, #tpu.memory_space<hbm>>
    %dma_start3A_736 = arith.constant 0 : i32
    %dma_start3A_737 = tpu.memref_slice %arg4[%add3A_728, %dma_start3A_736] : memref<64x64xf32, #tpu.memory_space<hbm>> -> memref<1x64xf32, #tpu.memory_space<hbm>>
    %dma_start3A_738 = tpu.memref_squeeze %dma_start3A_737 : memref<1x64xf32, #tpu.memory_space<hbm>> -> memref<64xf32, #tpu.memory_space<hbm>>
    %dma_start3A_739 = arith.constant 0 : i32
    %dma_start3A_740 = tpu.memref_slice %arg8[%dma_start3A_729, %dma_start3A_739] : memref<4x64xf32, #tpu.memory_space<vmem>> -> memref<1x64xf32, #tpu.memory_space<vmem>>
    %dma_start3A_741 = tpu.memref_squeeze %dma_start3A_740 : memref<1x64xf32, #tpu.memory_space<vmem>> -> memref<64xf32, #tpu.memory_space<vmem>>
    tpu.enqueue_dma source(%dma_start3A_741 : memref<64xf32, #tpu.memory_space<vmem>>) target(%dma_start3A_738 : memref<64xf32, #tpu.memory_space<hbm>>) target_semaphore(%arg13 : memref<!tpu.dma_semaphore, #tpu.memory_space<semaphore_mem>>)
    %dma_wait3A_742 = arith.constant 2 : i32
    %dma_wait3A_743 = arith.constant 2 : i32
    %dma_wait3A_744 = arith.constant 0 : i32
    %dma_wait3A_745 = arith.constant 0 : i32
    %dma_wait3A_746 = tpu.memref_slice %arg7[%dma_wait3A_743, %dma_wait3A_744, %dma_wait3A_745] : memref<4x64x128xf32, #tpu.memory_space<vmem>> -> memref<1x64x128xf32, #tpu.memory_space<vmem>>
    %dma_wait3A_747 = tpu.memref_squeeze %dma_wait3A_746 : memref<1x64x128xf32, #tpu.memory_space<vmem>> -> memref<64x128xf32, #tpu.memory_space<vmem>>
    %dma_wait3A_748 = arith.constant 0 : i32
    %dma_wait3A_749 = tpu.memref_slice %arg6[%dma_wait3A_742, %dma_wait3A_748] : memref<4x64xi32, #tpu.memory_space<vmem>> -> memref<1x64xi32, #tpu.memory_space<vmem>>
    %dma_wait3A_750 = tpu.memref_squeeze %dma_wait3A_749 : memref<1x64xi32, #tpu.memory_space<vmem>> -> memref<64xi32, #tpu.memory_space<vmem>>
    %dma_wait3A_751 = arith.constant 0 : i32
    %dma_wait3A_752 = arith.constant 0 : i32
    %dma_wait3A_753 = tpu.memref_slice %arg2[%dma_wait3A_751, %dma_wait3A_752] : memref<262144x128xf32, #tpu.memory_space<hbm>> -> memref<262144x128xf32, #tpu.memory_space<hbm>>
    tpu.wait_indirect_dma semaphore(%arg11 : memref<!tpu.dma_semaphore, #tpu.memory_space<semaphore_mem>>) src(%dma_wait3A_753 : memref<262144x128xf32, #tpu.memory_space<hbm>>) dst(%dma_wait3A_747 : memref<64x128xf32, #tpu.memory_space<vmem>>)
    %iota3A_754 = tpu.iota {dimensions = array<i32: 0>} : vector<16xi32>
    %add3A_755 = arith.constant 0 : i32
    %add3A_756 = vector.broadcast %add3A_755 : i32 to vector<16xi32>
    %add3A_757 = arith.addi %iota3A_754, %add3A_756 : vector<16xi32>
    %get3A_758 = arith.constant 64 : index
    %get3A_759 = tpu.vector_load %arg5[%get3A_758] {strides = array<i32>} : memref<128xi32, #tpu.memory_space<vmem>>, vector<16xi32>,
    %and3A_760 = arith.constant 127 : i32
    %and3A_761 = vector.broadcast %and3A_760 : i32 to vector<16xi32>
    %and3A_762 = arith.andi %get3A_759, %and3A_761 : vector<16xi32>
    %gather3A_763 = arith.constant 2 : i32
    %gather3A_764 = arith.constant 0 : i32
    %gather3A_765 = arith.constant 0 : i32
    %gather3A_766 = tpu.memref_slice %arg7[%gather3A_763, %gather3A_764, %gather3A_765] : memref<4x64x128xf32, #tpu.memory_space<vmem>> -> memref<1x64x128xf32, #tpu.memory_space<vmem>>
    %gather3A_767 = tpu.memref_squeeze %gather3A_766 : memref<1x64x128xf32, #tpu.memory_space<vmem>> -> memref<64x128xf32, #tpu.memory_space<vmem>>
    %gather3A_768 = tpu.vector_load_idx %gather3A_767[%add3A_757, %and3A_762] : memref<64x128xf32, #tpu.memory_space<vmem>>[vector<16xi32>, vector<16xi32>], vector<16xf32>,
    %swap3A_769 = arith.constant 2 : i32
    %swap3A_770 = arith.index_cast %swap3A_769 : i32 to index
    %swap3A_771 = arith.constant 0 : index
    %swap3A_772 = tpu.vector_load %arg8[%swap3A_770, %swap3A_771] {strides = array<i32>} : memref<4x64xf32, #tpu.memory_space<vmem>>, vector<16xf32>,
    tpu.vector_store %arg8[%swap3A_770, %swap3A_771], %gather3A_768 {strides = array<i32>} : memref<4x64xf32, #tpu.memory_space<vmem>>, vector<16xf32>,
    %iota3A_773 = tpu.iota {dimensions = array<i32: 0>} : vector<16xi32>
    %add3A_774 = arith.constant 16 : i32
    %add3A_775 = vector.broadcast %add3A_774 : i32 to vector<16xi32>
    %add3A_776 = arith.addi %iota3A_773, %add3A_775 : vector<16xi32>
    %get3A_777 = arith.constant 80 : index
    %get3A_778 = tpu.vector_load %arg5[%get3A_777] {strides = array<i32>} : memref<128xi32, #tpu.memory_space<vmem>>, vector<16xi32>,
    %and3A_779 = arith.constant 127 : i32
    %and3A_780 = vector.broadcast %and3A_779 : i32 to vector<16xi32>
    %and3A_781 = arith.andi %get3A_778, %and3A_780 : vector<16xi32>
    %gather3A_782 = arith.constant 2 : i32
    %gather3A_783 = arith.constant 0 : i32
    %gather3A_784 = arith.constant 0 : i32
    %gather3A_785 = tpu.memref_slice %arg7[%gather3A_782, %gather3A_783, %gather3A_784] : memref<4x64x128xf32, #tpu.memory_space<vmem>> -> memref<1x64x128xf32, #tpu.memory_space<vmem>>
    %gather3A_786 = tpu.memref_squeeze %gather3A_785 : memref<1x64x128xf32, #tpu.memory_space<vmem>> -> memref<64x128xf32, #tpu.memory_space<vmem>>
    %gather3A_787 = tpu.vector_load_idx %gather3A_786[%add3A_776, %and3A_781] : memref<64x128xf32, #tpu.memory_space<vmem>>[vector<16xi32>, vector<16xi32>], vector<16xf32>,
    %swap3A_788 = arith.constant 2 : i32
    %swap3A_789 = arith.index_cast %swap3A_788 : i32 to index
    %swap3A_790 = arith.constant 16 : index
    %swap3A_791 = tpu.vector_load %arg8[%swap3A_789, %swap3A_790] {strides = array<i32>} : memref<4x64xf32, #tpu.memory_space<vmem>>, vector<16xf32>,
    tpu.vector_store %arg8[%swap3A_789, %swap3A_790], %gather3A_787 {strides = array<i32>} : memref<4x64xf32, #tpu.memory_space<vmem>>, vector<16xf32>,
    %iota3A_792 = tpu.iota {dimensions = array<i32: 0>} : vector<16xi32>
    %add3A_793 = arith.constant 32 : i32
    %add3A_794 = vector.broadcast %add3A_793 : i32 to vector<16xi32>
    %add3A_795 = arith.addi %iota3A_792, %add3A_794 : vector<16xi32>
    %get3A_796 = arith.constant 96 : index
    %get3A_797 = tpu.vector_load %arg5[%get3A_796] {strides = array<i32>} : memref<128xi32, #tpu.memory_space<vmem>>, vector<16xi32>,
    %and3A_798 = arith.constant 127 : i32
    %and3A_799 = vector.broadcast %and3A_798 : i32 to vector<16xi32>
    %and3A_800 = arith.andi %get3A_797, %and3A_799 : vector<16xi32>
    %gather3A_801 = arith.constant 2 : i32
    %gather3A_802 = arith.constant 0 : i32
    %gather3A_803 = arith.constant 0 : i32
    %gather3A_804 = tpu.memref_slice %arg7[%gather3A_801, %gather3A_802, %gather3A_803] : memref<4x64x128xf32, #tpu.memory_space<vmem>> -> memref<1x64x128xf32, #tpu.memory_space<vmem>>
    %gather3A_805 = tpu.memref_squeeze %gather3A_804 : memref<1x64x128xf32, #tpu.memory_space<vmem>> -> memref<64x128xf32, #tpu.memory_space<vmem>>
    %gather3A_806 = tpu.vector_load_idx %gather3A_805[%add3A_795, %and3A_800] : memref<64x128xf32, #tpu.memory_space<vmem>>[vector<16xi32>, vector<16xi32>], vector<16xf32>,
    %swap3A_807 = arith.constant 2 : i32
    %swap3A_808 = arith.index_cast %swap3A_807 : i32 to index
    %swap3A_809 = arith.constant 32 : index
    %swap3A_810 = tpu.vector_load %arg8[%swap3A_808, %swap3A_809] {strides = array<i32>} : memref<4x64xf32, #tpu.memory_space<vmem>>, vector<16xf32>,
    tpu.vector_store %arg8[%swap3A_808, %swap3A_809], %gather3A_806 {strides = array<i32>} : memref<4x64xf32, #tpu.memory_space<vmem>>, vector<16xf32>,
    %iota3A_811 = tpu.iota {dimensions = array<i32: 0>} : vector<16xi32>
    %add3A_812 = arith.constant 48 : i32
    %add3A_813 = vector.broadcast %add3A_812 : i32 to vector<16xi32>
    %add3A_814 = arith.addi %iota3A_811, %add3A_813 : vector<16xi32>
    %get3A_815 = arith.constant 112 : index
    %get3A_816 = tpu.vector_load %arg5[%get3A_815] {strides = array<i32>} : memref<128xi32, #tpu.memory_space<vmem>>, vector<16xi32>,
    %and3A_817 = arith.constant 127 : i32
    %and3A_818 = vector.broadcast %and3A_817 : i32 to vector<16xi32>
    %and3A_819 = arith.andi %get3A_816, %and3A_818 : vector<16xi32>
    %gather3A_820 = arith.constant 2 : i32
    %gather3A_821 = arith.constant 0 : i32
    %gather3A_822 = arith.constant 0 : i32
    %gather3A_823 = tpu.memref_slice %arg7[%gather3A_820, %gather3A_821, %gather3A_822] : memref<4x64x128xf32, #tpu.memory_space<vmem>> -> memref<1x64x128xf32, #tpu.memory_space<vmem>>
    %gather3A_824 = tpu.memref_squeeze %gather3A_823 : memref<1x64x128xf32, #tpu.memory_space<vmem>> -> memref<64x128xf32, #tpu.memory_space<vmem>>
    %gather3A_825 = tpu.vector_load_idx %gather3A_824[%add3A_814, %and3A_819] : memref<64x128xf32, #tpu.memory_space<vmem>>[vector<16xi32>, vector<16xi32>], vector<16xf32>,
    %swap3A_826 = arith.constant 2 : i32
    %swap3A_827 = arith.index_cast %swap3A_826 : i32 to index
    %swap3A_828 = arith.constant 48 : index
    %swap3A_829 = tpu.vector_load %arg8[%swap3A_827, %swap3A_828] {strides = array<i32>} : memref<4x64xf32, #tpu.memory_space<vmem>>, vector<16xf32>,
    tpu.vector_store %arg8[%swap3A_827, %swap3A_828], %gather3A_825 {strides = array<i32>} : memref<4x64xf32, #tpu.memory_space<vmem>>, vector<16xf32>,
    %add3A_830 = arith.constant 2 : i32
    %add3A_831 = arith.addi %mul3A_0, %add3A_830 : i32
    %dma_start3A_832 = arith.constant 2 : i32
    %dma_start3A_833 = arith.constant 0 : i32
    %dma_start3A_834 = tpu.memref_slice %arg8[%dma_start3A_832, %dma_start3A_833] : memref<4x64xf32, #tpu.memory_space<vmem>> -> memref<1x64xf32, #tpu.memory_space<vmem>>
    %dma_start3A_835 = tpu.memref_squeeze %dma_start3A_834 : memref<1x64xf32, #tpu.memory_space<vmem>> -> memref<64xf32, #tpu.memory_space<vmem>>
    %dma_start3A_836 = arith.constant 0 : i32
    %dma_start3A_837 = tpu.memref_slice %arg4[%add3A_831, %dma_start3A_836] : memref<64x64xf32, #tpu.memory_space<hbm>> -> memref<1x64xf32, #tpu.memory_space<hbm>>
    %dma_start3A_838 = tpu.memref_squeeze %dma_start3A_837 : memref<1x64xf32, #tpu.memory_space<hbm>> -> memref<64xf32, #tpu.memory_space<hbm>>
    %dma_start3A_839 = arith.constant 0 : i32
    %dma_start3A_840 = tpu.memref_slice %arg4[%add3A_831, %dma_start3A_839] : memref<64x64xf32, #tpu.memory_space<hbm>> -> memref<1x64xf32, #tpu.memory_space<hbm>>
    %dma_start3A_841 = tpu.memref_squeeze %dma_start3A_840 : memref<1x64xf32, #tpu.memory_space<hbm>> -> memref<64xf32, #tpu.memory_space<hbm>>
    %dma_start3A_842 = arith.constant 0 : i32
    %dma_start3A_843 = tpu.memref_slice %arg8[%dma_start3A_832, %dma_start3A_842] : memref<4x64xf32, #tpu.memory_space<vmem>> -> memref<1x64xf32, #tpu.memory_space<vmem>>
    %dma_start3A_844 = tpu.memref_squeeze %dma_start3A_843 : memref<1x64xf32, #tpu.memory_space<vmem>> -> memref<64xf32, #tpu.memory_space<vmem>>
    tpu.enqueue_dma source(%dma_start3A_844 : memref<64xf32, #tpu.memory_space<vmem>>) target(%dma_start3A_841 : memref<64xf32, #tpu.memory_space<hbm>>) target_semaphore(%arg13 : memref<!tpu.dma_semaphore, #tpu.memory_space<semaphore_mem>>)
    %dma_wait3A_845 = arith.constant 3 : i32
    %dma_wait3A_846 = arith.constant 3 : i32
    %dma_wait3A_847 = arith.constant 0 : i32
    %dma_wait3A_848 = arith.constant 0 : i32
    %dma_wait3A_849 = tpu.memref_slice %arg7[%dma_wait3A_846, %dma_wait3A_847, %dma_wait3A_848] : memref<4x64x128xf32, #tpu.memory_space<vmem>> -> memref<1x64x128xf32, #tpu.memory_space<vmem>>
    %dma_wait3A_850 = tpu.memref_squeeze %dma_wait3A_849 : memref<1x64x128xf32, #tpu.memory_space<vmem>> -> memref<64x128xf32, #tpu.memory_space<vmem>>
    %dma_wait3A_851 = arith.constant 0 : i32
    %dma_wait3A_852 = tpu.memref_slice %arg6[%dma_wait3A_845, %dma_wait3A_851] : memref<4x64xi32, #tpu.memory_space<vmem>> -> memref<1x64xi32, #tpu.memory_space<vmem>>
    %dma_wait3A_853 = tpu.memref_squeeze %dma_wait3A_852 : memref<1x64xi32, #tpu.memory_space<vmem>> -> memref<64xi32, #tpu.memory_space<vmem>>
    %dma_wait3A_854 = arith.constant 0 : i32
    %dma_wait3A_855 = arith.constant 0 : i32
    %dma_wait3A_856 = tpu.memref_slice %arg2[%dma_wait3A_854, %dma_wait3A_855] : memref<262144x128xf32, #tpu.memory_space<hbm>> -> memref<262144x128xf32, #tpu.memory_space<hbm>>
    tpu.wait_indirect_dma semaphore(%arg12 : memref<!tpu.dma_semaphore, #tpu.memory_space<semaphore_mem>>) src(%dma_wait3A_856 : memref<262144x128xf32, #tpu.memory_space<hbm>>) dst(%dma_wait3A_850 : memref<64x128xf32, #tpu.memory_space<vmem>>)
    %iota3A_857 = tpu.iota {dimensions = array<i32: 0>} : vector<16xi32>
    %add3A_858 = arith.constant 0 : i32
    %add3A_859 = vector.broadcast %add3A_858 : i32 to vector<16xi32>
    %add3A_860 = arith.addi %iota3A_857, %add3A_859 : vector<16xi32>
    %get3A_861 = arith.constant 64 : index
    %get3A_862 = tpu.vector_load %arg5[%get3A_861] {strides = array<i32>} : memref<128xi32, #tpu.memory_space<vmem>>, vector<16xi32>,
    %and3A_863 = arith.constant 127 : i32
    %and3A_864 = vector.broadcast %and3A_863 : i32 to vector<16xi32>
    %and3A_865 = arith.andi %get3A_862, %and3A_864 : vector<16xi32>
    %gather3A_866 = arith.constant 3 : i32
    %gather3A_867 = arith.constant 0 : i32
    %gather3A_868 = arith.constant 0 : i32
    %gather3A_869 = tpu.memref_slice %arg7[%gather3A_866, %gather3A_867, %gather3A_868] : memref<4x64x128xf32, #tpu.memory_space<vmem>> -> memref<1x64x128xf32, #tpu.memory_space<vmem>>
    %gather3A_870 = tpu.memref_squeeze %gather3A_869 : memref<1x64x128xf32, #tpu.memory_space<vmem>> -> memref<64x128xf32, #tpu.memory_space<vmem>>
    %gather3A_871 = tpu.vector_load_idx %gather3A_870[%add3A_860, %and3A_865] : memref<64x128xf32, #tpu.memory_space<vmem>>[vector<16xi32>, vector<16xi32>], vector<16xf32>,
    %swap3A_872 = arith.constant 3 : i32
    %swap3A_873 = arith.index_cast %swap3A_872 : i32 to index
    %swap3A_874 = arith.constant 0 : index
    %swap3A_875 = tpu.vector_load %arg8[%swap3A_873, %swap3A_874] {strides = array<i32>} : memref<4x64xf32, #tpu.memory_space<vmem>>, vector<16xf32>,
    tpu.vector_store %arg8[%swap3A_873, %swap3A_874], %gather3A_871 {strides = array<i32>} : memref<4x64xf32, #tpu.memory_space<vmem>>, vector<16xf32>,
    %iota3A_876 = tpu.iota {dimensions = array<i32: 0>} : vector<16xi32>
    %add3A_877 = arith.constant 16 : i32
    %add3A_878 = vector.broadcast %add3A_877 : i32 to vector<16xi32>
    %add3A_879 = arith.addi %iota3A_876, %add3A_878 : vector<16xi32>
    %get3A_880 = arith.constant 80 : index
    %get3A_881 = tpu.vector_load %arg5[%get3A_880] {strides = array<i32>} : memref<128xi32, #tpu.memory_space<vmem>>, vector<16xi32>,
    %and3A_882 = arith.constant 127 : i32
    %and3A_883 = vector.broadcast %and3A_882 : i32 to vector<16xi32>
    %and3A_884 = arith.andi %get3A_881, %and3A_883 : vector<16xi32>
    %gather3A_885 = arith.constant 3 : i32
    %gather3A_886 = arith.constant 0 : i32
    %gather3A_887 = arith.constant 0 : i32
    %gather3A_888 = tpu.memref_slice %arg7[%gather3A_885, %gather3A_886, %gather3A_887] : memref<4x64x128xf32, #tpu.memory_space<vmem>> -> memref<1x64x128xf32, #tpu.memory_space<vmem>>
    %gather3A_889 = tpu.memref_squeeze %gather3A_888 : memref<1x64x128xf32, #tpu.memory_space<vmem>> -> memref<64x128xf32, #tpu.memory_space<vmem>>
    %gather3A_890 = tpu.vector_load_idx %gather3A_889[%add3A_879, %and3A_884] : memref<64x128xf32, #tpu.memory_space<vmem>>[vector<16xi32>, vector<16xi32>], vector<16xf32>,
    %swap3A_891 = arith.constant 3 : i32
    %swap3A_892 = arith.index_cast %swap3A_891 : i32 to index
    %swap3A_893 = arith.constant 16 : index
    %swap3A_894 = tpu.vector_load %arg8[%swap3A_892, %swap3A_893] {strides = array<i32>} : memref<4x64xf32, #tpu.memory_space<vmem>>, vector<16xf32>,
    tpu.vector_store %arg8[%swap3A_892, %swap3A_893], %gather3A_890 {strides = array<i32>} : memref<4x64xf32, #tpu.memory_space<vmem>>, vector<16xf32>,
    %iota3A_895 = tpu.iota {dimensions = array<i32: 0>} : vector<16xi32>
    %add3A_896 = arith.constant 32 : i32
    %add3A_897 = vector.broadcast %add3A_896 : i32 to vector<16xi32>
    %add3A_898 = arith.addi %iota3A_895, %add3A_897 : vector<16xi32>
    %get3A_899 = arith.constant 96 : index
    %get3A_900 = tpu.vector_load %arg5[%get3A_899] {strides = array<i32>} : memref<128xi32, #tpu.memory_space<vmem>>, vector<16xi32>,
    %and3A_901 = arith.constant 127 : i32
    %and3A_902 = vector.broadcast %and3A_901 : i32 to vector<16xi32>
    %and3A_903 = arith.andi %get3A_900, %and3A_902 : vector<16xi32>
    %gather3A_904 = arith.constant 3 : i32
    %gather3A_905 = arith.constant 0 : i32
    %gather3A_906 = arith.constant 0 : i32
    %gather3A_907 = tpu.memref_slice %arg7[%gather3A_904, %gather3A_905, %gather3A_906] : memref<4x64x128xf32, #tpu.memory_space<vmem>> -> memref<1x64x128xf32, #tpu.memory_space<vmem>>
    %gather3A_908 = tpu.memref_squeeze %gather3A_907 : memref<1x64x128xf32, #tpu.memory_space<vmem>> -> memref<64x128xf32, #tpu.memory_space<vmem>>
    %gather3A_909 = tpu.vector_load_idx %gather3A_908[%add3A_898, %and3A_903] : memref<64x128xf32, #tpu.memory_space<vmem>>[vector<16xi32>, vector<16xi32>], vector<16xf32>,
    %swap3A_910 = arith.constant 3 : i32
    %swap3A_911 = arith.index_cast %swap3A_910 : i32 to index
    %swap3A_912 = arith.constant 32 : index
    %swap3A_913 = tpu.vector_load %arg8[%swap3A_911, %swap3A_912] {strides = array<i32>} : memref<4x64xf32, #tpu.memory_space<vmem>>, vector<16xf32>,
    tpu.vector_store %arg8[%swap3A_911, %swap3A_912], %gather3A_909 {strides = array<i32>} : memref<4x64xf32, #tpu.memory_space<vmem>>, vector<16xf32>,
    %iota3A_914 = tpu.iota {dimensions = array<i32: 0>} : vector<16xi32>
    %add3A_915 = arith.constant 48 : i32
    %add3A_916 = vector.broadcast %add3A_915 : i32 to vector<16xi32>
    %add3A_917 = arith.addi %iota3A_914, %add3A_916 : vector<16xi32>
    %get3A_918 = arith.constant 112 : index
    %get3A_919 = tpu.vector_load %arg5[%get3A_918] {strides = array<i32>} : memref<128xi32, #tpu.memory_space<vmem>>, vector<16xi32>,
    %and3A_920 = arith.constant 127 : i32
    %and3A_921 = vector.broadcast %and3A_920 : i32 to vector<16xi32>
    %and3A_922 = arith.andi %get3A_919, %and3A_921 : vector<16xi32>
    %gather3A_923 = arith.constant 3 : i32
    %gather3A_924 = arith.constant 0 : i32
    %gather3A_925 = arith.constant 0 : i32
    %gather3A_926 = tpu.memref_slice %arg7[%gather3A_923, %gather3A_924, %gather3A_925] : memref<4x64x128xf32, #tpu.memory_space<vmem>> -> memref<1x64x128xf32, #tpu.memory_space<vmem>>
    %gather3A_927 = tpu.memref_squeeze %gather3A_926 : memref<1x64x128xf32, #tpu.memory_space<vmem>> -> memref<64x128xf32, #tpu.memory_space<vmem>>
    %gather3A_928 = tpu.vector_load_idx %gather3A_927[%add3A_917, %and3A_922] : memref<64x128xf32, #tpu.memory_space<vmem>>[vector<16xi32>, vector<16xi32>], vector<16xf32>,
    %swap3A_929 = arith.constant 3 : i32
    %swap3A_930 = arith.index_cast %swap3A_929 : i32 to index
    %swap3A_931 = arith.constant 48 : index
    %swap3A_932 = tpu.vector_load %arg8[%swap3A_930, %swap3A_931] {strides = array<i32>} : memref<4x64xf32, #tpu.memory_space<vmem>>, vector<16xf32>,
    tpu.vector_store %arg8[%swap3A_930, %swap3A_931], %gather3A_928 {strides = array<i32>} : memref<4x64xf32, #tpu.memory_space<vmem>>, vector<16xf32>,
    %add3A_933 = arith.constant 4 : i32
    %add3A_934 = arith.addi %mul3A_0, %add3A_933 : i32
    %sub3A = arith.constant 1 : i32
    %sub3A_935 = arith.subi %add3A_934, %sub3A : i32
    %run_scoped3A = arith.constant 3 : i32
    "tpu.region"() ({
      %run_scoped3A_981 = tpu.sem_alloc : memref<!tpu.dma_semaphore, #tpu.memory_space<semaphore_mem>>
      %dma_start3A_982 = arith.constant 0 : i32
      %dma_start3A_983 = tpu.memref_slice %arg8[%run_scoped3A, %dma_start3A_982] : memref<4x64xf32, #tpu.memory_space<vmem>> -> memref<1x64xf32, #tpu.memory_space<vmem>>
      %dma_start3A_984 = tpu.memref_squeeze %dma_start3A_983 : memref<1x64xf32, #tpu.memory_space<vmem>> -> memref<64xf32, #tpu.memory_space<vmem>>
      %dma_start3A_985 = arith.constant 0 : i32
      %dma_start3A_986 = tpu.memref_slice %arg4[%sub3A_935, %dma_start3A_985] : memref<64x64xf32, #tpu.memory_space<hbm>> -> memref<1x64xf32, #tpu.memory_space<hbm>>
      %dma_start3A_987 = tpu.memref_squeeze %dma_start3A_986 : memref<1x64xf32, #tpu.memory_space<hbm>> -> memref<64xf32, #tpu.memory_space<hbm>>
      %dma_start3A_988 = arith.constant 0 : i32
      %dma_start3A_989 = tpu.memref_slice %arg4[%sub3A_935, %dma_start3A_988] : memref<64x64xf32, #tpu.memory_space<hbm>> -> memref<1x64xf32, #tpu.memory_space<hbm>>
      %dma_start3A_990 = tpu.memref_squeeze %dma_start3A_989 : memref<1x64xf32, #tpu.memory_space<hbm>> -> memref<64xf32, #tpu.memory_space<hbm>>
      %dma_start3A_991 = arith.constant 0 : i32
      %dma_start3A_992 = tpu.memref_slice %arg8[%run_scoped3A, %dma_start3A_991] : memref<4x64xf32, #tpu.memory_space<vmem>> -> memref<1x64xf32, #tpu.memory_space<vmem>>
      %dma_start3A_993 = tpu.memref_squeeze %dma_start3A_992 : memref<1x64xf32, #tpu.memory_space<vmem>> -> memref<64xf32, #tpu.memory_space<vmem>>
      tpu.enqueue_dma source(%dma_start3A_993 : memref<64xf32, #tpu.memory_space<vmem>>) target(%dma_start3A_990 : memref<64xf32, #tpu.memory_space<hbm>>) target_semaphore(%run_scoped3A_981 : memref<!tpu.dma_semaphore, #tpu.memory_space<semaphore_mem>>)
      %dma_wait3A_994 = arith.constant 0 : i32
      %dma_wait3A_995 = tpu.memref_slice %arg8[%run_scoped3A, %dma_wait3A_994] : memref<4x64xf32, #tpu.memory_space<vmem>> -> memref<1x64xf32, #tpu.memory_space<vmem>>
      %dma_wait3A_996 = tpu.memref_squeeze %dma_wait3A_995 : memref<1x64xf32, #tpu.memory_space<vmem>> -> memref<64xf32, #tpu.memory_space<vmem>>
      %dma_wait3A_997 = arith.constant 0 : i32
      %dma_wait3A_998 = tpu.memref_slice %arg4[%sub3A_935, %dma_wait3A_997] : memref<64x64xf32, #tpu.memory_space<hbm>> -> memref<1x64xf32, #tpu.memory_space<hbm>>
      %dma_wait3A_999 = tpu.memref_squeeze %dma_wait3A_998 : memref<1x64xf32, #tpu.memory_space<hbm>> -> memref<64xf32, #tpu.memory_space<hbm>>
      %dma_wait3A_1000 = arith.constant 0 : i32
      %dma_wait3A_1001 = tpu.memref_slice %arg4[%sub3A_935, %dma_wait3A_1000] : memref<64x64xf32, #tpu.memory_space<hbm>> -> memref<1x64xf32, #tpu.memory_space<hbm>>
      %dma_wait3A_1002 = tpu.memref_squeeze %dma_wait3A_1001 : memref<1x64xf32, #tpu.memory_space<hbm>> -> memref<64xf32, #tpu.memory_space<hbm>>
      %dma_wait3A_1003 = arith.constant 0 : i32
      %dma_wait3A_1004 = tpu.memref_slice %arg8[%run_scoped3A, %dma_wait3A_1003] : memref<4x64xf32, #tpu.memory_space<vmem>> -> memref<1x64xf32, #tpu.memory_space<vmem>>
      %dma_wait3A_1005 = tpu.memref_squeeze %dma_wait3A_1004 : memref<1x64xf32, #tpu.memory_space<vmem>> -> memref<64xf32, #tpu.memory_space<vmem>>
      tpu.wait_dma2 semaphore(%run_scoped3A_981 : memref<!tpu.dma_semaphore, #tpu.memory_space<semaphore_mem>>) src(%dma_wait3A_1005 : memref<64xf32, #tpu.memory_space<vmem>>) dst(%dma_wait3A_1002 : memref<64xf32, #tpu.memory_space<hbm>>)
      tpu.yield
    }) : () -> ()
    %add3A_936 = arith.constant 0 : i32
    %add3A_937 = arith.addi %mul3A_0, %add3A_936 : i32
    %dma_wait3A_938 = arith.constant 0 : i32
    %dma_wait3A_939 = arith.constant 0 : i32
    %dma_wait3A_940 = tpu.memref_slice %arg8[%dma_wait3A_938, %dma_wait3A_939] : memref<4x64xf32, #tpu.memory_space<vmem>> -> memref<1x64xf32, #tpu.memory_space<vmem>>
    %dma_wait3A_941 = tpu.memref_squeeze %dma_wait3A_940 : memref<1x64xf32, #tpu.memory_space<vmem>> -> memref<64xf32, #tpu.memory_space<vmem>>
    %dma_wait3A_942 = arith.constant 0 : i32
    %dma_wait3A_943 = tpu.memref_slice %arg4[%add3A_937, %dma_wait3A_942] : memref<64x64xf32, #tpu.memory_space<hbm>> -> memref<1x64xf32, #tpu.memory_space<hbm>>
    %dma_wait3A_944 = tpu.memref_squeeze %dma_wait3A_943 : memref<1x64xf32, #tpu.memory_space<hbm>> -> memref<64xf32, #tpu.memory_space<hbm>>
    %dma_wait3A_945 = arith.constant 0 : i32
    %dma_wait3A_946 = tpu.memref_slice %arg4[%add3A_937, %dma_wait3A_945] : memref<64x64xf32, #tpu.memory_space<hbm>> -> memref<1x64xf32, #tpu.memory_space<hbm>>
    %dma_wait3A_947 = tpu.memref_squeeze %dma_wait3A_946 : memref<1x64xf32, #tpu.memory_space<hbm>> -> memref<64xf32, #tpu.memory_space<hbm>>
    %dma_wait3A_948 = arith.constant 0 : i32
    %dma_wait3A_949 = tpu.memref_slice %arg8[%dma_wait3A_938, %dma_wait3A_948] : memref<4x64xf32, #tpu.memory_space<vmem>> -> memref<1x64xf32, #tpu.memory_space<vmem>>
    %dma_wait3A_950 = tpu.memref_squeeze %dma_wait3A_949 : memref<1x64xf32, #tpu.memory_space<vmem>> -> memref<64xf32, #tpu.memory_space<vmem>>
    tpu.wait_dma2 semaphore(%arg13 : memref<!tpu.dma_semaphore, #tpu.memory_space<semaphore_mem>>) src(%dma_wait3A_950 : memref<64xf32, #tpu.memory_space<vmem>>) dst(%dma_wait3A_947 : memref<64xf32, #tpu.memory_space<hbm>>)
    %add3A_951 = arith.constant 1 : i32
    %add3A_952 = arith.addi %mul3A_0, %add3A_951 : i32
    %dma_wait3A_953 = arith.constant 1 : i32
    %dma_wait3A_954 = arith.constant 0 : i32
    %dma_wait3A_955 = tpu.memref_slice %arg8[%dma_wait3A_953, %dma_wait3A_954] : memref<4x64xf32, #tpu.memory_space<vmem>> -> memref<1x64xf32, #tpu.memory_space<vmem>>
    %dma_wait3A_956 = tpu.memref_squeeze %dma_wait3A_955 : memref<1x64xf32, #tpu.memory_space<vmem>> -> memref<64xf32, #tpu.memory_space<vmem>>
    %dma_wait3A_957 = arith.constant 0 : i32
    %dma_wait3A_958 = tpu.memref_slice %arg4[%add3A_952, %dma_wait3A_957] : memref<64x64xf32, #tpu.memory_space<hbm>> -> memref<1x64xf32, #tpu.memory_space<hbm>>
    %dma_wait3A_959 = tpu.memref_squeeze %dma_wait3A_958 : memref<1x64xf32, #tpu.memory_space<hbm>> -> memref<64xf32, #tpu.memory_space<hbm>>
    %dma_wait3A_960 = arith.constant 0 : i32
    %dma_wait3A_961 = tpu.memref_slice %arg4[%add3A_952, %dma_wait3A_960] : memref<64x64xf32, #tpu.memory_space<hbm>> -> memref<1x64xf32, #tpu.memory_space<hbm>>
    %dma_wait3A_962 = tpu.memref_squeeze %dma_wait3A_961 : memref<1x64xf32, #tpu.memory_space<hbm>> -> memref<64xf32, #tpu.memory_space<hbm>>
    %dma_wait3A_963 = arith.constant 0 : i32
    %dma_wait3A_964 = tpu.memref_slice %arg8[%dma_wait3A_953, %dma_wait3A_963] : memref<4x64xf32, #tpu.memory_space<vmem>> -> memref<1x64xf32, #tpu.memory_space<vmem>>
    %dma_wait3A_965 = tpu.memref_squeeze %dma_wait3A_964 : memref<1x64xf32, #tpu.memory_space<vmem>> -> memref<64xf32, #tpu.memory_space<vmem>>
    tpu.wait_dma2 semaphore(%arg13 : memref<!tpu.dma_semaphore, #tpu.memory_space<semaphore_mem>>) src(%dma_wait3A_965 : memref<64xf32, #tpu.memory_space<vmem>>) dst(%dma_wait3A_962 : memref<64xf32, #tpu.memory_space<hbm>>)
    %add3A_966 = arith.constant 2 : i32
    %add3A_967 = arith.addi %mul3A_0, %add3A_966 : i32
    %dma_wait3A_968 = arith.constant 2 : i32
    %dma_wait3A_969 = arith.constant 0 : i32
    %dma_wait3A_970 = tpu.memref_slice %arg8[%dma_wait3A_968, %dma_wait3A_969] : memref<4x64xf32, #tpu.memory_space<vmem>> -> memref<1x64xf32, #tpu.memory_space<vmem>>
    %dma_wait3A_971 = tpu.memref_squeeze %dma_wait3A_970 : memref<1x64xf32, #tpu.memory_space<vmem>> -> memref<64xf32, #tpu.memory_space<vmem>>
    %dma_wait3A_972 = arith.constant 0 : i32
    %dma_wait3A_973 = tpu.memref_slice %arg4[%add3A_967, %dma_wait3A_972] : memref<64x64xf32, #tpu.memory_space<hbm>> -> memref<1x64xf32, #tpu.memory_space<hbm>>
    %dma_wait3A_974 = tpu.memref_squeeze %dma_wait3A_973 : memref<1x64xf32, #tpu.memory_space<hbm>> -> memref<64xf32, #tpu.memory_space<hbm>>
    %dma_wait3A_975 = arith.constant 0 : i32
    %dma_wait3A_976 = tpu.memref_slice %arg4[%add3A_967, %dma_wait3A_975] : memref<64x64xf32, #tpu.memory_space<hbm>> -> memref<1x64xf32, #tpu.memory_space<hbm>>
    %dma_wait3A_977 = tpu.memref_squeeze %dma_wait3A_976 : memref<1x64xf32, #tpu.memory_space<hbm>> -> memref<64xf32, #tpu.memory_space<hbm>>
    %dma_wait3A_978 = arith.constant 0 : i32
    %dma_wait3A_979 = tpu.memref_slice %arg8[%dma_wait3A_968, %dma_wait3A_978] : memref<4x64xf32, #tpu.memory_space<vmem>> -> memref<1x64xf32, #tpu.memory_space<vmem>>
    %dma_wait3A_980 = tpu.memref_squeeze %dma_wait3A_979 : memref<1x64xf32, #tpu.memory_space<vmem>> -> memref<64xf32, #tpu.memory_space<vmem>>
    tpu.wait_dma2 semaphore(%arg13 : memref<!tpu.dma_semaphore, #tpu.memory_space<semaphore_mem>>) src(%dma_wait3A_980 : memref<64xf32, #tpu.memory_space<vmem>>) dst(%dma_wait3A_977 : memref<64xf32, #tpu.memory_space<hbm>>)
    return
  }
}

</mosaic_0001>

<sc_bundles>
// kernel: kernel.3.cloned.1.call-start
scs
__scs_entry_jumppad:
0x0: {  	(pc) =	sbr.rel $0x88, $3  }
0x1: {  	(tag) =	ssettag $0x0;
	lr =	simm.s32 $0x1  }
0x2: {  	[smem:$0x3F9E] =	sst lr;
	_ =	strace $0xD0000000  }
0x3: {  	_ = 	snop  }
0x4: {  	_ = 	snop  }
0x5: {  	_ = 	snop  }
0x6: {  	_ = 	snop  }
0x7: {  	_ = 	snop  }
__scs_overlays_trampoline_lowered:
0x8: {  	[smem:$0x3FAD] =	sst s0  }
0x9: {  	[smem:$0x3FAE] =	sst s1  }
0xa: {  	[smem:$0x3FAF] =	sst s2  }
0xb: {  	[smem:$0x3FB0] =	sst s3  }
0xc: {  	[smem:$0x3FB1] =	sst s4  }
0xd: {  	[smem:$0x3FB2] =	sst s5  }
0xe: {  	[smem:$0x3FB3] =	sst s6  }
0xf: {  	[smem:$0x3FB4] =	sst s7  }
0x10: {  	[smem:$0x3FB5] =	sst s8  }
0x11: {  	[smem:$0x3FB6] =	sst s9;
	s0 =	simm.s32 @!p0 $0x0  }
0x12: {  	s1 =	sld [smem:$0x3F9C];
	s0 =	simm.s32 @p0 $0x1  }
0x13: {  	[smem:$0x3FB7] =	sst s0;
	s0 =	simm.s32 @!p1 $0x0  }
0x14: {  	s2 =	sld [smem:$0x3F9B];
	s0 =	simm.s32 @p1 $0x1  }
0x15: {  	[smem:$0x3FB8] =	sst s0;
	s0 =	simm.s32 @!p2 $0x0  }
0x16: {  	s3 =	sld [smem:$0x3FDB];
	s0 =	simm.s32 @p2 $0x1  }
0x17: {  	s4 =	simm.s32 $0x1BF5;
	[smem:$0x3FBA] =	sst s0  }
0x18: {  	s0 =	sld [smem:$0x3F9D];
	_ =	swait.ge [sflag:s4], $0x0  }
0x19: {  	s7 =	sld [smem:$0x3F9E]  }
0x1a: {  	s8 =	sadd.s32 $0xFFFFE003, lr  }
0x1b: {  	s9 =	sadd.s32 $0xFFFFFEF7, lr;
	s5 =	simm.s32 $0xFFFFFFFF;
	p2 =	slt.u32 s8, $0xFFFFF086  }
0x1c: {  	p1 =	slt.u32 s9, $0xF7A;
	s5 =	simm.s32 @!p2 $0x0  }
0x1d: {  	s5 =	simm.s32 @p1 $0x1;
	p0 =	seq.s32 s7, s2  }
0x1e: {  	s7 =	smul.u32 @!p0 $0xF7A, s2;
	p2 =	seq.s32 @!p0 s5, $0x0  }
0x1f: {  	s9 =	smul.u32 $0xF7A, s1;
	s8 =	simm.s32 @!p0 $0x1BF5;
	p2 =	por !p2, p0  }
0x20: {  	[sflag:s8] =	ssyncset.s32 @!p0 $0xFFFFF086;
	s6 =	sadd.s32 @!p0 s3, s7;
	s7 =	simm.s32 @!p0 $0x108  }
0x21: {  	s3 =	sadd.s32 s3, s9;
	s6 =	sadd.s32 @!p0 $0x88, s6;
	s7 =	simm.s32 @p2 $0x1082  }
0x22: {  	[simem:s7], [sflag:s8] =	dma.local @!p0 [hbm:s6], $0xF7A  }
0x23: {  	s9 =	sor.u32 $0xD0000000, s2;
	s6 =	simm.s32 $0x108;
	_ =	swait.ge @!p0 [sflag:s8], $0x0  }
0x24: {  	s3 =	sadd.s32 $0x88, s3;
	s6 =	simm.s32 @!p1 $0x1082;
	[sflag:s4] =	ssyncset.s32 $0xFFFFF086  }
0x25: {  	[simem:s6], [sflag:s4] =	dma.local [hbm:s3], $0xF7A  }
0x26: {  	[smem:$0x3F9E] =	sst s1;
	(tag) =	ssettag s2;
	_ =	strace s9  }
0x27: {  	s1 =	sld [smem:$0x3FAE]  }
0x28: {  	s2 =	sld [smem:$0x3FAF]  }
0x29: {  	s4 =	sld [smem:$0x3FB1]  }
0x2a: {  	p0 =	seq.s32 s5, $0x0;
	s5 =	sld [smem:$0x3FB2]  }
0x2b: {  	s6 =	sld [smem:$0x3FB3]  }
0x2c: {  	s7 =	sld [smem:$0x3FB4]  }
0x2d: {  	s3 =	simm.s32 $0x108;
	s8 =	sld [smem:$0x3FB5]  }
0x2e: {  	s3 =	simm.s32 @!p0 $0x1082;
	s9 =	sld [smem:$0x3FB6]  }
0x2f: {  	lr =	sadd.s32 s0, s3;
	s0 =	sld [smem:$0x3FAD]  }
0x30: {  	s3 =	sld [smem:$0x3FB0]  }
0x31: {  	[smem:$0x3FB9] =	sst s10  }
0x32: {  	s10 =	sld [smem:$0x3FB7];
	_ =	sdelay $0x3  }
0x33: {  	p0 =	seq.s32 s10, $0x1;
	s10 =	sld [smem:$0x3FB9];
	_ =	sdelay $0x3  }
0x34: {  	[smem:$0x3FB9] =	sst s10  }
0x35: {  	s10 =	sld [smem:$0x3FB8];
	_ =	sdelay $0x3  }
0x36: {  	p1 =	seq.s32 s10, $0x1;
	s10 =	sld [smem:$0x3FB9];
	_ =	sdelay $0x3  }
0x37: {  	[smem:$0x3FB9] =	sst s10  }
0x38: {  	s10 =	sld [smem:$0x3FBA]  }
0x39: {  	_ = 	snop;
	(pc) =	sbr.ind lr, $3  }
0x3a: {  	_ = 	snop  }
0x3b: {  	_ = 	snop  }
0x3c: {  	p2 =	seq.s32 s10, $0x1;
	s10 =	sld [smem:$0x3FB9]  }
0x3d: {  	_ =	shalt  }
0x3e: {  	_ =	shalt  }
0x3f: {  	_ =	shalt  }
0x40: {  	_ =	shalt  }
0x41: {  	_ =	shalt  }
0x42: {  	_ =	shalt  }
0x43: {  	_ =	shalt  }
0x44: {  	_ =	shalt  }
0x45: {  	_ =	shalt  }
0x46: {  	_ =	shalt  }
0x47: {  	_ =	shalt  }
0x48: {  	_ =	shalt  }
0x49: {  	_ =	shalt  }
0x4a: {  	_ =	shalt  }
0x4b: {  	_ =	shalt  }
0x4c: {  	_ =	shalt  }
0x4d: {  	_ =	shalt  }
0x4e: {  	_ =	shalt  }
0x4f: {  	_ =	shalt  }
0x50: {  	_ =	shalt  }
0x51: {  	_ =	shalt  }
0x52: {  	_ =	shalt  }
0x53: {  	_ =	shalt  }
0x54: {  	_ =	shalt  }
0x55: {  	_ =	shalt  }
0x56: {  	_ =	shalt  }
0x57: {  	_ =	shalt  }
0x58: {  	_ =	shalt  }
0x59: {  	_ =	shalt  }
0x5a: {  	_ =	shalt  }
0x5b: {  	_ =	shalt  }
0x5c: {  	_ =	shalt  }
0x5d: {  	_ =	shalt  }
0x5e: {  	_ =	shalt  }
0x5f: {  	_ =	shalt  }
0x60: {  	_ =	shalt  }
0x61: {  	_ =	shalt  }
0x62: {  	_ =	shalt  }
0x63: {  	_ =	shalt  }
0x64: {  	_ =	shalt  }
0x65: {  	_ =	shalt  }
0x66: {  	_ =	shalt  }
0x67: {  	_ =	shalt  }
0x68: {  	_ =	shalt  }
0x69: {  	_ =	shalt  }
0x6a: {  	_ =	shalt  }
0x6b: {  	_ =	shalt  }
0x6c: {  	_ =	shalt  }
0x6d: {  	_ =	shalt  }
0x6e: {  	_ =	shalt  }
0x6f: {  	_ =	shalt  }
0x70: {  	_ =	shalt  }
0x71: {  	_ =	shalt  }
0x72: {  	_ =	shalt  }
0x73: {  	_ =	shalt  }
0x74: {  	_ =	shalt  }
0x75: {  	_ =	shalt  }
0x76: {  	_ =	shalt  }
0x77: {  	_ =	shalt  }
0x78: {  	_ =	shalt  }
0x79: {  	_ =	shalt  }
0x7a: {  	_ =	shalt  }
0x7b: {  	_ =	shalt  }
0x7c: {  	_ =	shalt  }
0x7d: {  	_ =	shalt  }
0x7e: {  	_ =	shalt  }
0x7f: {  	_ =	shalt  }
0x80: {  	_ =	shalt  }
0x81: {  	_ =	shalt  }
0x82: {  	_ =	shalt  }
0x83: {  	_ =	shalt  }
0x84: {  	_ =	shalt  }
0x85: {  	_ =	shalt  }
0x86: {  	_ =	shalt  }
0x87: {  	_ =	shalt  }
.Lfunc_end0:
.L_simem_size_0:
called_computation_lowered:
.L_overlay_start_0:
0x88: {  	s0 =	sld [smem:$0x3FD9]  }
0x89: {  	s1 =	sld [smem:$0x3FFE];
	_ =	sdelay $0x3  }
0x8a: {  	s0 =	sadd.s32 s1, s0  }
0x8b: {  	[smem:$0x3FC5] =	sst s0  }
0x8c: {  	_ = 	snop  }
0x8d: {  	s0 =	sld [smem:$0x3FC9]  }
0x8e: {  	s16 =	sld [smem:$0x3FD0];
	(tm) =	ssettm $0x1  }
0x8f: {  	s2 =	sld [smem:$0x3FFB];
	_ =	sdelay $0x3  }
0x90: {  	_ =	strace s2  }
0x91: {  	s2 =	sld [smem:$0x3FFC];
	_ =	sdelay $0x3  }
0x92: {  	_ =	strace s2  }
0x93: {  	s2 =	sld [smem:$0x3FFD];
	_ =	sdelay $0x3  }
0x94: {  	_ =	strace s2  }
0x95: {  	_ =	strace $0x8FFFFFFF  }
0x96: {  	s17 =	sld [smem:$0x3FDB];
	_ =	sdelay $0x1  }
0x97: {  	s3 =	simm.s32 $_scs_section_size  }
0x98: {  	s4 =	simm.s32 $_size__tile_overlayer_lowered;
	s5 =	simm.s32 $_tile_overlayer_lowered  }
0x99: {  	s20 =	simm.s32 $0x1BFF;
	s19 =	sshll.u32 s5, $0x1;
	s2 =	sadd.s32 s3, s17  }
0x9a: {  	s6 =	simm.s32 $0x0;
	s18 =	sshll.u32 s4, $0x1;
	s4 =	sadd.s32 s19, s2  }
0x9b: {  	[timem:s6], [sflag:s20] =	dma.local [hbm:s4], s18  }
0x9c: {  	_ =	swait.ge [sflag:s20], s18  }
0x9d: {  	s3 =	ssub.s32 $0x0, s18;
	[sflag:s20] =	ssyncset.done $0x0  }
0x9e: {  	[sflag:s20] =	ssyncadd.s32 s3;
	_ =	sdelay $0x1  }
0x9f: {  	s21 =	simm.s32 $0x1B8B  }
0xa0: {  	_ =	swait.ge [sflag:s21], $0x1  }
0xa1: {  	[sflag:s21] =	ssyncset.done $0x0  }
0xa2: {  	s23 =	simm.s32 $0x1B8E;
	s22 =	sld [smem:$0x3FFE];
	[sflag:s21] =	ssyncadd.s32 $0xFFFFFFFF  }
0xa3: {  	s24 =	simm.s32 $execute0_lowered;
	[smem:$0x3FD2] =	sst s23  }
0xa4: {  	s4 =	sshll.u32 s24, $0x1;
	_ =	strace $0x80000046;
	[dreg:$0x1] =	wrdreg $0xFFFFFFFF  }
0xa5: {  	s25 =	simm.s32 $_size_execute0_lowered;
	s2 =	sadd.s32 s2, s4;
	[dreg:$0x0] =	wrdreg $0x0  }
0xa6: {  	s4 =	sshll.u32 s25, $0x1;
	[dreg:$0x2] =	wrdreg s2  }
0xa7: {  	[dreg:$0x3] =	wrdreg s4  }
0xa8: {  	[dreg:$0x4] =	wrdreg $0xC0  }
0xa9: {  	_ =	task [dreg:s6], $0x5FFFF  }
0xaa: {  	[dreg:$0x1] =	wrdreg $0xFFFFFFFF  }
0xab: {  	[dreg:$0x0] =	wrdreg $0x60  }
0xac: {  	[dreg:$0x2] =	wrdreg s0  }
0xad: {  	[dreg:$0x3] =	wrdreg s22  }
0xae: {  	[dreg:$0x4] =	wrdreg s16  }
0xaf: {  	[dreg:$0x5] =	wrdreg $0x9  }
0xb0: {  	_ =	task.clear_ibuf [dreg:s6], $0x6FFFF;
	_ =	strace $0x90000046  }
0xb1: {  	s26 =	simm.s32 $0x9;
	_ =	strace $0x80000048  }
0xb2: {  	_ =	swait.ge [sflag:s26], $0x1  }
0xb3: {  	[sflag:s26] =	ssyncadd.s32 $0xFFFFFFFF  }
0xb4: {  	_ =	strace $0x90000048  }
0xb5: {  	_ =	sfence  }
0xb6: {  	s28 =	sld [smem:$0x0];
	_ =	sdelay $0x1  }
0xb7: {  	s29 =	srdreg.scid  }
0xb8: {  	s30 =	sshll.u32 s29, $0xD;
	s31 =	sshrl.u32 s29, $0x2  }
0xb9: {  	s1 =	sand.u32 $0x1, s29;
	s2 =	sand.u32 $0x4000, s30;
	s0 =	sadd.s32 s31, s28  }
0xba: {  	s1 =	sor.u32 s2, s1;
	s0 =	sshll.u32 s0, $0x11  }
0xbb: {  	s0 =	sor.u32 s0, s1  }
0xbc: {  	s0 =	sadd.s32 $0x8F2B, s0  }
0xbd: {  	[sflag:s0] =	ssyncadd.remote.s32 $0x1  }
0xbe: {  	_ =	sfence.sel $0xFFFF  }
0xbf: {  	[dreg:$0x0] =	wrdreg $0xFFFFFFFF;
	(pc) =	sbr.abs _section_cstart, $3  }
0xc0: {  	[dreg:$0x1] =	wrdreg $0xFFFFFFFF  }
0xc1: {  	_ =	task.clear_ibuf [dreg:s6], $0x2FFFF;
	_ =	strace $0x9FFFFFFF  }
0xc2: {  	(tm) =	ssettm $0x7FFFFFFF  }
0xc3: {  	_ =	shalt  }
tec
execute0_lowered:
.L_overlay_start_1:
0x0: {  	(tag) =	ssettag $0x1  }
0x1: {  	s5 =	rddreg [dreg:$0x0]  }
0x2: {  	s1 =	rddreg [dreg:$0x1]  }
0x3: {  	s3 =	rddreg [dreg:$0x2]  }
0x4: {  	s0 =	rddreg [dreg:$0x3];
	s2 =	simm.s32 $0x0  }
0x5: {  	[smem:$0x7FF] =	sst s2  }
0x6: {  	s4 =	simm.s32 $0x6;
	s1 =	sadd.s32 $0x400, s1;
	_ =	strace $0x80000047  }
0x7: {  	[tilespmem:s2], [sflag:$0x6] =	stream.linear.gather [hbm4b:s1+s2], $0x80, $0x38;
	[tilespmem:$0x8480] =	vst v63  }
0x8: {  	_ =	swait.ge [sflag:s4], $0x80  }
0x9: {  	[sflag:s4] =	ssyncset.done $0x0  }
0xa: {  	[sflag:s4] =	ssyncadd.s32 $0xFFFFFF80  }
0xb: {  	v0 =	vld [tilespmem:$0x0]  }
0xc: {  	v1 =	vld [tilespmem:$0x40]  }
0xd: {  	v2 =	vld [tilespmem:$0x10]  }
0xe: {  	v3 =	vld [tilespmem:$0x50]  }
0xf: {  	v5 =	vld [tilespmem:$0x20]  }
0x10: {  	v6 =	vld [tilespmem:$0x60]  }
0x11: {  	v7 =	vld [tilespmem:$0x30];
	_ =	sdelay $0x1  }
0x12: {  	v4 =	vshll.u32 v0, $0x2  }
0x13: {  	v0 =	vand.u32 $0x7, v0;
	v1 =	vshra.s32 v1, $0x4;
	v23 =	vshll.u32 v2, $0x2  }
0x14: {  	s1 =	stileid.u32;
	v2 =	vand.u32 $0x7, v2;
	v3 =	vshra.s32 v3, $0x4;
	v26 =	vshll.u32 v5, $0x2  }
0x15: {  	s6 =	sshll.u32 s1, $0xE;
	v24 =	vld [tilespmem:$0x70];
	v27 =	vshra.s32 v6, $0x4;
	v5 =	vand.u32 $0x7, v5;
	v28 =	vshll.u32 v7, $0x2  }
0x16: {  	v29 =	vand.u32 $0x7, v7;
	v4 =	vand.u32 $0xFFFFFFE0, v4;
	v0 =	vor.u32 s6, v0  }
0x17: {  	v2 =	vor.u32 s6, v2;
	v1 =	vand.u32 $0xFFFFFFF8, v1;
	v3 =	vand.u32 $0xFFFFFFF8, v3  }
0x18: {  	v5 =	vor.u32 s6, v5;
	v0 =	vadd.s32 v4, v0;
	v4 =	vand.u32 $0xFFFFFFE0, v23  }
0x19: {  	v30 =	vand.u32 $0xFFFFFFE0, v28;
	v31 =	vor.u32 s6, v29;
	v2 =	vadd.s32 v4, v2  }
0x1a: {  	v0 =	vadd.s32 v1, v0;
	v4 =	vshra.s32 v24, $0x4;
	v25 =	vadd.s32 v3, v2  }
0x1b: {  	v2 =	vand.u32 $0xFFFFFFE0, v26;
	[tilespmem:$0x80] =	vst v0;
	v33 =	vand.u32 $0xFFFFFFF8, v4;
	v0 =	vadd.s32 v30, v31  }
0x1c: {  	v3 =	vand.u32 $0xFFFFFFF8, v27;
	v2 =	vadd.s32 v2, v5;
	[tilespmem:$0x90] =	vst v25;
	v0 =	vadd.s32 v33, v0  }
0x1d: {  	v32 =	vadd.s32 v3, v2;
	[tilespmem:$0xB0] =	vst v0  }
0x1e: {  	s11 =	simm.s32 $0x40;
	s30 =	simm.s32 $0x80;
	s8 =	simm.s32 $0x280;
	[tilespmem:$0xA0] =	vst v32  }
0x1f: {  	[tilespmem:s8], [sflag:$0x1] =	stream.indirect.gather [hbm4b:s5+s11], $0x80, s30, s11, $0xb8;
	[tilespmem:$0x8480] =	vst v63  }
0x20: {  	v34 =	vld [tilespmem:$0x0]  }
0x21: {  	v35 =	vld [tilespmem:$0x40]  }
0x22: {  	v36 =	vld [tilespmem:$0x10]  }
0x23: {  	v37 =	vld [tilespmem:$0x50]  }
0x24: {  	v39 =	vld [tilespmem:$0x20]  }
0x25: {  	v40 =	vld [tilespmem:$0x60]  }
0x26: {  	v42 =	vld [tilespmem:$0x30];
	_ =	sdelay $0x1  }
0x27: {  	v38 =	vshll.u32 v34, $0x2  }
0x28: {  	s7 =	sshll.u32 s1, $0x2;
	v0 =	vand.u32 $0x7, v34;
	v1 =	vshra.s32 v35, $0x4;
	v41 =	vshll.u32 v36, $0x2  }
0x29: {  	s31 =	sor.u32 $0x1, s7;
	v2 =	vand.u32 $0x7, v36;
	v3 =	vshra.s32 v37, $0x4;
	v45 =	vshll.u32 v39, $0x2  }
0x2a: {  	s9 =	sshll.u32 s31, $0xC;
	v43 =	vld [tilespmem:$0x70];
	v46 =	vshra.s32 v40, $0x4;
	v5 =	vand.u32 $0x7, v39;
	v47 =	vshll.u32 v42, $0x2  }
0x2b: {  	v48 =	vand.u32 $0x7, v42;
	v4 =	vand.u32 $0xFFFFFFE0, v38;
	v0 =	vor.u32 s9, v0  }
0x2c: {  	v2 =	vor.u32 s9, v2;
	v1 =	vand.u32 $0xFFFFFFF8, v1;
	v3 =	vand.u32 $0xFFFFFFF8, v3  }
0x2d: {  	v5 =	vor.u32 s9, v5;
	v0 =	vadd.s32 v4, v0;
	v4 =	vand.u32 $0xFFFFFFE0, v41  }
0x2e: {  	v49 =	vand.u32 $0xFFFFFFE0, v47;
	v50 =	vor.u32 s9, v48;
	v2 =	vadd.s32 v4, v2  }
0x2f: {  	v0 =	vadd.s32 v1, v0;
	v4 =	vshra.s32 v43, $0x4;
	v44 =	vadd.s32 v3, v2  }
0x30: {  	v2 =	vand.u32 $0xFFFFFFE0, v45;
	[tilespmem:$0x100] =	vst v0;
	v52 =	vand.u32 $0xFFFFFFF8, v4;
	v0 =	vadd.s32 v49, v50  }
0x31: {  	v3 =	vand.u32 $0xFFFFFFF8, v46;
	v2 =	vadd.s32 v2, v5;
	[tilespmem:$0x110] =	vst v44;
	v0 =	vadd.s32 v52, v0  }
0x32: {  	v51 =	vadd.s32 v3, v2;
	[tilespmem:$0x130] =	vst v0  }
0x33: {  	s13 =	simm.s32 $0x100;
	s10 =	simm.s32 $0x2280;
	[tilespmem:$0x120] =	vst v51  }
0x34: {  	[tilespmem:s10], [sflag:$0x2] =	stream.indirect.gather [hbm4b:s5+s11], $0x80, s13, s11, $0xb8;
	[tilespmem:$0x8480] =	vst v63  }
0x35: {  	v53 =	vld [tilespmem:$0x0]  }
0x36: {  	v54 =	vld [tilespmem:$0x40]  }
0x37: {  	v55 =	vld [tilespmem:$0x10]  }
0x38: {  	v56 =	vld [tilespmem:$0x50]  }
0x39: {  	v58 =	vld [tilespmem:$0x20]  }
0x3a: {  	v59 =	vld [tilespmem:$0x60]  }
0x3b: {  	v61 =	vld [tilespmem:$0x30];
	_ =	sdelay $0x1  }
0x3c: {  	v57 =	vshll.u32 v53, $0x2  }
0x3d: {  	v0 =	vand.u32 $0x7, v53;
	v1 =	vshra.s32 v54, $0x4;
	v60 =	vshll.u32 v55, $0x2  }
0x3e: {  	s7 =	sor.u32 $0x2, s7;
	v2 =	vand.u32 $0x7, v55;
	v3 =	vshra.s32 v56, $0x4;
	v9 =	vshll.u32 v58, $0x2  }
0x3f: {  	s14 =	sshll.u32 s7, $0xC;
	v62 =	vld [tilespmem:$0x70];
	v10 =	vshra.s32 v59, $0x4;
	v5 =	vand.u32 $0x7, v58;
	v11 =	vshll.u32 v61, $0x2  }
0x40: {  	v12 =	vand.u32 $0x7, v61;
	v4 =	vand.u32 $0xFFFFFFE0, v57;
	v0 =	vor.u32 s14, v0  }
0x41: {  	v2 =	vor.u32 s14, v2;
	v1 =	vand.u32 $0xFFFFFFF8, v1;
	v3 =	vand.u32 $0xFFFFFFF8, v3  }
0x42: {  	v5 =	vor.u32 s14, v5;
	v0 =	vadd.s32 v4, v0;
	v4 =	vand.u32 $0xFFFFFFE0, v60  }
0x43: {  	v13 =	vand.u32 $0xFFFFFFE0, v11;
	v14 =	vor.u32 s14, v12;
	v2 =	vadd.s32 v4, v2  }
0x44: {  	v0 =	vadd.s32 v1, v0;
	v4 =	vshra.s32 v62, $0x4;
	v63 =	vadd.s32 v3, v2  }
0x45: {  	v2 =	vand.u32 $0xFFFFFFE0, v9;
	[tilespmem:$0x180] =	vst v0;
	v16 =	vand.u32 $0xFFFFFFF8, v4;
	v0 =	vadd.s32 v13, v14  }
0x46: {  	v3 =	vand.u32 $0xFFFFFFF8, v10;
	v2 =	vadd.s32 v2, v5;
	[tilespmem:$0x190] =	vst v63;
	v0 =	vadd.s32 v16, v0  }
0x47: {  	v15 =	vadd.s32 v3, v2;
	[tilespmem:$0x1B0] =	vst v0  }
0x48: {  	s15 =	simm.s32 $0x180;
	s12 =	simm.s32 $0x4280;
	[tilespmem:$0x1A0] =	vst v15  }
0x49: {  	[tilespmem:s12], [sflag:$0x3] =	stream.indirect.gather [hbm4b:s5+s11], $0x80, s15, s11, $0xb8;
	[tilespmem:$0x8480] =	vst v63  }
0x4a: {  	v17 =	vld [tilespmem:$0x0]  }
0x4b: {  	v18 =	vld [tilespmem:$0x40]  }
0x4c: {  	v19 =	vld [tilespmem:$0x10]  }
0x4d: {  	v20 =	vld [tilespmem:$0x50]  }
0x4e: {  	v22 =	vld [tilespmem:$0x20]  }
0x4f: {  	v23 =	vld [tilespmem:$0x60]  }
0x50: {  	v25 =	vld [tilespmem:$0x30];
	_ =	sdelay $0x1  }
0x51: {  	v21 =	vshll.u32 v17, $0x2  }
0x52: {  	v0 =	vand.u32 $0x7, v17;
	v1 =	vshra.s32 v18, $0x4;
	v24 =	vshll.u32 v19, $0x2  }
0x53: {  	s16 =	sshllo.u32 s1, $0x2;
	v2 =	vand.u32 $0x7, v19;
	v3 =	vshra.s32 v20, $0x4;
	v28 =	vshll.u32 v22, $0x2  }
0x54: {  	s13 =	sshll.u32 s16, $0xC;
	v26 =	vld [tilespmem:$0x70];
	v29 =	vshra.s32 v23, $0x4;
	v5 =	vand.u32 $0x7, v22;
	v30 =	vshll.u32 v25, $0x2  }
0x55: {  	v31 =	vand.u32 $0x7, v25;
	v4 =	vand.u32 $0xFFFFFFE0, v21;
	v0 =	vor.u32 s13, v0  }
0x56: {  	v2 =	vor.u32 s13, v2;
	v1 =	vand.u32 $0xFFFFFFF8, v1;
	v3 =	vand.u32 $0xFFFFFFF8, v3  }
0x57: {  	v5 =	vor.u32 s13, v5;
	v0 =	vadd.s32 v4, v0;
	v4 =	vand.u32 $0xFFFFFFE0, v24  }
0x58: {  	v32 =	vand.u32 $0xFFFFFFE0, v30;
	v33 =	vor.u32 s13, v31;
	v2 =	vadd.s32 v4, v2  }
0x59: {  	v0 =	vadd.s32 v1, v0;
	v4 =	vshra.s32 v26, $0x4;
	v27 =	vadd.s32 v3, v2  }
0x5a: {  	v2 =	vand.u32 $0xFFFFFFE0, v28;
	[tilespmem:$0x200] =	vst v0;
	v35 =	vand.u32 $0xFFFFFFF8, v4;
	v0 =	vadd.s32 v32, v33  }
0x5b: {  	v3 =	vand.u32 $0xFFFFFFF8, v29;
	v2 =	vadd.s32 v2, v5;
	[tilespmem:$0x210] =	vst v27;
	v0 =	vadd.s32 v35, v0  }
0x5c: {  	v34 =	vadd.s32 v3, v2;
	[tilespmem:$0x230] =	vst v0  }
0x5d: {  	s17 =	simm.s32 $0x6280;
	s18 =	simm.s32 $0x1;
	s14 =	simm.s32 $0x200;
	[tilespmem:$0x220] =	vst v34  }
0x5e: {  	[tilespmem:s17], [sflag:$0x4] =	stream.indirect.gather [hbm4b:s5+s11], $0x80, s14, s11, $0xb8;
	[tilespmem:$0x8480] =	vst v63  }
0x5f: {  	_ =	swait.ge [sflag:s18], $0x2000  }
0x60: {  	[sflag:s18] =	ssyncset.done $0x0  }
0x61: {  	[sflag:s18] =	ssyncadd.s32 $0xFFFFE000  }
0x62: {  	v36 =	vld [tilespmem:$0x40];
	_ =	sdelay $0x2  }
0x63: {  	v37 =	vlaneseq.u32  }
0x64: {  	v1 =	vmul.u32 $0x80, v37  }
0x65: {  	v0 =	vand.u32 $0x7F, v36  }
0x66: {  	v38 =	vld [tilespmem:$0x50];
	v0 =	vor.u32 v1, v0;
	_ =	sdelay $0x4  }
0x67: {  	v39 =	vor.u32 $0x800, v1;
	v2 =	vand.u32 $0x7F, v38;
	v0 =	vld.idx.msk [tilespmem:v0+s8+$0x0], $0xffff  }
0x68: {  	v40 =	vld [tilespmem:$0x60];
	v2 =	vor.u32 v39, v2;
	_ =	sdelay $0x3  }
0x69: {  	[tilespmem:$0x8280] =	vst v0  }
0x6a: {  	v42 =	vor.u32 $0x1000, v1;
	v41 =	vand.u32 $0x7F, v40;
	v0 =	vld.idx.msk [tilespmem:v2+s8+$0x0], $0xffff  }
0x6b: {  	v43 =	vld [tilespmem:$0x70];
	v2 =	vor.u32 v42, v41;
	_ =	sdelay $0x3  }
0x6c: {  	[tilespmem:$0x8290] =	vst v0  }
0x6d: {  	v45 =	vor.u32 $0x1800, v1;
	v44 =	vand.u32 $0x7F, v43;
	v0 =	vld.idx.msk [tilespmem:v2+s8+$0x0], $0xffff  }
0x6e: {  	v2 =	vor.u32 v45, v44;
	_ =	sdelay $0x3  }
0x6f: {  	[tilespmem:$0x82A0] =	vst v0  }
0x70: {  	v0 =	vld.idx.msk [tilespmem:v2+s8+$0x0], $0xffff;
	_ =	sdelay $0x3  }
0x71: {  	s19 =	sshll.u32 s1, $0x6  }
0x72: {  	s20 =	simm.s32 $0x8280;
	s21 =	simm.s32 $0x2;
	s5 =	sadd.s32 s3, s19;
	[tilespmem:$0x82B0] =	vst v0  }
0x73: {  	[hbm4b:s5+s2] =	stream.linear.scatter [tilespmem:s20], [sflag:$0x5], $0x80, $0x38;
	[tilespmem:$0x8480] =	vst v63  }
0x74: {  	_ =	swait.ge [sflag:s21], $0x2000  }
0x75: {  	[sflag:s21] =	ssyncset.done $0x0  }
0x76: {  	[sflag:s21] =	ssyncadd.s32 $0xFFFFE000  }
0x77: {  	v46 =	vld [tilespmem:$0x40];
	_ =	sdelay $0x4  }
0x78: {  	v0 =	vand.u32 $0x7F, v46  }
0x79: {  	v47 =	vld [tilespmem:$0x50];
	v0 =	vor.u32 v1, v0;
	_ =	sdelay $0x4  }
0x7a: {  	v2 =	vand.u32 $0x7F, v47;
	v0 =	vld.idx.msk [tilespmem:v0+s10+$0x0], $0xffff  }
0x7b: {  	v48 =	vld [tilespmem:$0x60];
	v2 =	vor.u32 v39, v2;
	_ =	sdelay $0x3  }
0x7c: {  	[tilespmem:$0x8300] =	vst v0  }
0x7d: {  	v49 =	vand.u32 $0x7F, v48;
	v0 =	vld.idx.msk [tilespmem:v2+s10+$0x0], $0xffff  }
0x7e: {  	v50 =	vld [tilespmem:$0x70];
	v2 =	vor.u32 v42, v49;
	_ =	sdelay $0x3  }
0x7f: {  	[tilespmem:$0x8310] =	vst v0  }
0x80: {  	v51 =	vand.u32 $0x7F, v50;
	v0 =	vld.idx.msk [tilespmem:v2+s10+$0x0], $0xffff  }
0x81: {  	v2 =	vor.u32 v45, v51;
	_ =	sdelay $0x3  }
0x82: {  	[tilespmem:$0x8320] =	vst v0  }
0x83: {  	v0 =	vld.idx.msk [tilespmem:v2+s10+$0x0], $0xffff  }
0x84: {  	s22 =	sshll.u32 s1, $0x9;
	s6 =	sshll.u32 s31, $0x7  }
0x85: {  	s6 =	sand.u32 $0x280, s6;
	s5 =	sand.u32 $0x1C00, s22  }
0x86: {  	s6 =	sor.u32 s5, s6  }
0x87: {  	s6 =	sshrl.u32 s6, $0x3  }
0x88: {  	s23 =	simm.s32 $0x8300;
	s24 =	simm.s32 $0x3;
	s6 =	sadd.s32 s3, s6;
	[tilespmem:$0x8330] =	vst v0  }
0x89: {  	[hbm4b:s6+s2] =	stream.linear.scatter [tilespmem:s23], [sflag:$0x5], $0x80, $0x38;
	[tilespmem:$0x8480] =	vst v63  }
0x8a: {  	_ =	swait.ge [sflag:s24], $0x2000  }
0x8b: {  	[sflag:s24] =	ssyncset.done $0x0  }
0x8c: {  	[sflag:s24] =	ssyncadd.s32 $0xFFFFE000  }
0x8d: {  	v52 =	vld [tilespmem:$0x40];
	_ =	sdelay $0x4  }
0x8e: {  	v0 =	vand.u32 $0x7F, v52  }
0x8f: {  	v53 =	vld [tilespmem:$0x50];
	v0 =	vor.u32 v1, v0;
	_ =	sdelay $0x4  }
0x90: {  	v2 =	vand.u32 $0x7F, v53;
	v0 =	vld.idx.msk [tilespmem:v0+s12+$0x0], $0xffff  }
0x91: {  	v54 =	vld [tilespmem:$0x60];
	v2 =	vor.u32 v39, v2;
	_ =	sdelay $0x3  }
0x92: {  	[tilespmem:$0x8380] =	vst v0  }
0x93: {  	v55 =	vand.u32 $0x7F, v54;
	v0 =	vld.idx.msk [tilespmem:v2+s12+$0x0], $0xffff  }
0x94: {  	v56 =	vld [tilespmem:$0x70];
	v2 =	vor.u32 v42, v55;
	_ =	sdelay $0x3  }
0x95: {  	[tilespmem:$0x8390] =	vst v0  }
0x96: {  	v57 =	vand.u32 $0x7F, v56;
	v0 =	vld.idx.msk [tilespmem:v2+s12+$0x0], $0xffff  }
0x97: {  	v2 =	vor.u32 v45, v57;
	_ =	sdelay $0x3  }
0x98: {  	[tilespmem:$0x83A0] =	vst v0  }
0x99: {  	v0 =	vld.idx.msk [tilespmem:v2+s12+$0x0], $0xffff  }
0x9a: {  	s25 =	sshll.u32 s7, $0x7  }
0x9b: {  	s6 =	sand.u32 $0x300, s25  }
0x9c: {  	s6 =	sor.u32 s5, s6  }
0x9d: {  	s6 =	sshrl.u32 s6, $0x3  }
0x9e: {  	s26 =	simm.s32 $0x8380;
	s28 =	simm.s32 $0x4;
	s6 =	sadd.s32 s3, s6;
	[tilespmem:$0x83B0] =	vst v0  }
0x9f: {  	[hbm4b:s6+s2] =	stream.linear.scatter [tilespmem:s26], [sflag:$0x5], $0x80, $0x38;
	[tilespmem:$0x8480] =	vst v63  }
0xa0: {  	_ =	swait.ge [sflag:s28], $0x2000  }
0xa1: {  	[sflag:s28] =	ssyncset.done $0x0  }
0xa2: {  	[sflag:s28] =	ssyncadd.s32 $0xFFFFE000  }
0xa3: {  	v58 =	vld [tilespmem:$0x40];
	_ =	sdelay $0x4  }
0xa4: {  	v0 =	vand.u32 $0x7F, v58  }
0xa5: {  	v59 =	vld [tilespmem:$0x50];
	v0 =	vor.u32 v1, v0;
	_ =	sdelay $0x4  }
0xa6: {  	v1 =	vand.u32 $0x7F, v59;
	v0 =	vld.idx.msk [tilespmem:v0+s17+$0x0], $0xffff  }
0xa7: {  	v60 =	vld [tilespmem:$0x60];
	v1 =	vor.u32 v39, v1;
	_ =	sdelay $0x3  }
0xa8: {  	[tilespmem:$0x8400] =	vst v0  }
0xa9: {  	v61 =	vand.u32 $0x7F, v60;
	v0 =	vld.idx.msk [tilespmem:v1+s17+$0x0], $0xffff  }
0xaa: {  	v62 =	vld [tilespmem:$0x70];
	v1 =	vor.u32 v42, v61;
	_ =	sdelay $0x3  }
0xab: {  	[tilespmem:$0x8410] =	vst v0  }
0xac: {  	v63 =	vand.u32 $0x7F, v62;
	v0 =	vld.idx.msk [tilespmem:v1+s17+$0x0], $0xffff  }
0xad: {  	v1 =	vor.u32 v45, v63;
	_ =	sdelay $0x3  }
0xae: {  	[tilespmem:$0x8420] =	vst v0  }
0xaf: {  	v0 =	vld.idx.msk [tilespmem:v1+s17+$0x0], $0xffff  }
0xb0: {  	s29 =	sshll.u32 s16, $0x7  }
0xb1: {  	s6 =	sand.u32 $0x380, s29  }
0xb2: {  	s5 =	sor.u32 s5, s6  }
0xb3: {  	s5 =	sshrl.u32 s5, $0x3  }
0xb4: {  	s30 =	simm.s32 $0x8400;
	s3 =	sadd.s32 s3, s5;
	[tilespmem:$0x8430] =	vst v0  }
0xb5: {  	[hbm4b:s3+s2] =	stream.linear.scatter [tilespmem:s30], [sflag:$0x6], $0x80, $0x38;
	[tilespmem:$0x8480] =	vst v63  }
0xb6: {  	_ =	swait.ge [sflag:s4], $0x80  }
0xb7: {  	[sflag:s4] =	ssyncset.done $0x0  }
0xb8: {  	s31 =	simm.s32 $0x5;
	[sflag:s4] =	ssyncadd.s32 $0xFFFFFF80  }
0xb9: {  	_ =	swait.ge [sflag:s31], $0x80  }
0xba: {  	[sflag:s31] =	ssyncset.done $0x0  }
0xbb: {  	[sflag:s31] =	ssyncadd.s32 $0xFFFFFF80  }
0xbc: {  	_ =	swait.ge [sflag:s31], $0x80  }
0xbd: {  	[sflag:s31] =	ssyncset.done $0x0  }
0xbe: {  	[sflag:s31] =	ssyncadd.s32 $0xFFFFFF80  }
0xbf: {  	_ =	swait.ge [sflag:s31], $0x80  }
0xc0: {  	[sflag:s31] =	ssyncset.done $0x0  }
0xc1: {  	[sflag:s31] =	ssyncadd.s32 $0xFFFFFF80  }
0xc2: {  	_ =	sfence.sel $0x180000  }
0xc3: {  	[bflag:$0x0] =	sbarrier.arrive $0xFFFF  }
0xc4: {  	p0 =	sne.s32 s1, $0x0;
	_ =	strace $0x90000047  }
0xc5: {  	s0 =	sadd.s32 @!p0 $0x100000, s0;
	[bflag:$0x2] =	sbarrier.arrive $0xFFFF  }
0xc6: {  	[sflag:s0] =	ssyncadd.tile.s32 @!p0 $0x1;
	_ =	shalt  }
.Lfunc_end2:
_tile_overlayer_lowered:
.L_overlay_start_2:
0xc7: {  	(tag) =	ssettag $0x2  }
0xc8: {  	s0 =	rddreg [dreg:$0x0];
	s2 =	stileid.u32  }
0xc9: {  	s1 =	rddreg [dreg:$0x1];
	p0 =	sne.s32 s2, $0x0  }
0xca: {  	s3 =	rddreg [dreg:$0x2];
	[bflag:$0x3] =	sbarrier.arrive $0xFFFF;
	s2 =	simm.s32 @!p0 $0x1C06  }
0xcb: {  	[timem:s3], [sflag:s2] =	dma.local @!p0 [hbm:s0], s1  }
0xcc: {  	s0 =	simm.s32 @!p0 $0x6  }
0xcd: {  	_ =	swait.ge @!p0 [sflag:s0], s1  }
0xce: {  	s1 =	ssub.s32 @!p0 $0x0, s1;
	[sflag:s0] =	ssyncset.done @!p0 $0x0  }
0xcf: {  	[sflag:s0] =	ssyncadd.s32 @!p0 s1  }
0xd0: {  	[bflag:$0x3] =	sbarrier.arrive $0xFFFF  }
0xd1: {  	_ =	shalt  }

</sc_bundles>
